<compile_context>
chip_gen: v7x
topology: tpu7x:2x2x1
jax: 0.10.2.dev20260603
libtpu: 0.0.44.dev20260713+nightly
codegen_flags: <defaults>
</compile_context>

<pallas_src>
import functools

import jax
import jax.numpy as jnp
import numpy as np
from jax import lax
from jax.experimental import pallas as pl
from jax.experimental.pallas import tpu as pltpu
from jax.experimental.pallas import tpu_sc as plsc

F = 26
D = 16
B = 16384
VOCAB = 100000
R = F * VOCAB
BF = B * F
EMBED_OUT = F * D
H1, H2 = 128, 64
BN_EPS = 1e-5

NC, NS = 2, 16
NW = NC * NS
ROWS_W = BF // NW
CHUNK = 1664
NCHUNK = ROWS_W // CHUNK
NPAIR = NCHUNK // 2


@functools.cache
def _make_sc_embed():
    mesh = plsc.VectorSubcoreMesh(core_axis_name="c", subcore_axis_name="s")

    @functools.partial(
        pl.kernel,
        mesh=mesh,
        out_type=jax.ShapeDtypeStruct((BF, D), jnp.float32),
        scratch_types=[
            pltpu.VMEM((CHUNK,), jnp.int32),
            pltpu.VMEM((CHUNK,), jnp.int32),
            pltpu.VMEM((CHUNK, D), jnp.float32),
            pltpu.VMEM((CHUNK, D), jnp.float32),
            pltpu.SemaphoreType.DMA,
            pltpu.SemaphoreType.DMA,
            pltpu.SemaphoreType.DMA,
            pltpu.SemaphoreType.DMA,
        ],
        compiler_params=pltpu.CompilerParams(use_tc_tiling_on_sc=False),
    )
    def _sc_embed(idx_hbm, emb_hbm, out_emb,
                  idx_a, idx_b, rows_a, rows_b, gsem_a, gsem_b,
                  osem_a, osem_b):
        wid = lax.axis_index("s") * NC + lax.axis_index("c")
        base0 = wid * ROWS_W
        idx_v = (idx_a, idx_b)
        rows_v = (rows_a, rows_b)
        gsems = (gsem_a, gsem_b)
        osems = (osem_a, osem_b)

        def prep(c, p):
            pltpu.sync_copy(idx_hbm.at[pl.ds(base0 + c * CHUNK, CHUNK)],
                            idx_v[p])
            pltpu.async_copy(emb_hbm.at[idx_v[p]], rows_v[p], gsems[p])

        def flush(c, p):
            pltpu.make_async_copy(emb_hbm.at[idx_v[p]], rows_v[p],
                                  gsems[p]).wait()
            pltpu.async_copy(
                rows_v[p], out_emb.at[pl.ds(base0 + c * CHUNK, CHUNK)],
                osems[p])

        def drain(c, p):
            pltpu.make_async_copy(
                rows_v[p], out_emb.at[pl.ds(base0 + c * CHUNK, CHUNK)],
                osems[p]).wait()

        prep(0, 0)

        def pair2(i, carry):
            c0 = 2 * i

            @pl.when(i > 0)
            def _():
                drain(c0 - 1, 1)

            prep(c0 + 1, 1)
            flush(c0, 0)

            @pl.when(i + 1 < NPAIR)
            def _():
                drain(c0, 0)
                prep(c0 + 2, 0)

            flush(c0 + 1, 1)
            return carry

        lax.fori_loop(0, NPAIR, pair2, 0)
        drain(NCHUNK - 2, 0)
        drain(NCHUNK - 1, 1)

    return _sc_embed


@functools.cache
def _make_sc_linear():
    mesh = plsc.VectorSubcoreMesh(core_axis_name="c", subcore_axis_name="s")

    @functools.partial(
        pl.kernel,
        mesh=mesh,
        out_type=jax.ShapeDtypeStruct((BF,), jnp.float32),
        scratch_types=[
            pltpu.VMEM((CHUNK,), jnp.int32),
            pltpu.VMEM((CHUNK,), jnp.float32),
            pltpu.SemaphoreType.DMA,
        ],
        compiler_params=pltpu.CompilerParams(use_tc_tiling_on_sc=False),
    )
    def _sc_linear(idx_hbm, lin_hbm, out_lin, idx_v, vals_v, sem):
        wid = lax.axis_index("s") * NC + lax.axis_index("c")
        base0 = wid * ROWS_W

        def body(c, carry):
            base = base0 + c * CHUNK
            pltpu.sync_copy(idx_hbm.at[pl.ds(base, CHUNK)], idx_v)
            pltpu.async_copy(lin_hbm.at[idx_v], vals_v, sem).wait()
            pltpu.sync_copy(vals_v, out_lin.at[pl.ds(base, CHUNK)])
            return carry

        lax.fori_loop(0, NCHUNK, body, 0)

    return _sc_linear


BLK = 1024


def _tc_body(h_ref, lin_ref, w1_ref, b1_ref, w2_ref, b2_ref, smat_ref,
             w3c_ref, out_ref):
    h = h_ref[...]
    lin = lin_ref[...]
    linear = jnp.sum(lin, axis=1)

    hh = jnp.sum(h * h, axis=1)
    s = jnp.dot(h, smat_ref[...], preferred_element_type=jnp.float32)
    fm = 0.5 * (jnp.sum(s * s, axis=1) - hh)

    a1 = jnp.dot(h, w1_ref[...], preferred_element_type=jnp.float32)
    a1 = jnp.maximum(a1 + b1_ref[...], 0.0)
    a2 = jnp.dot(a1, w2_ref[...], preferred_element_type=jnp.float32)
    a2 = jnp.maximum(a2 + b2_ref[...], 0.0)
    mlp = jnp.sum(a2 * w3c_ref[...][:, :H2], axis=1) + w3c_ref[0, H2]
    out_ref[...] = linear + fm + mlp


def _tc_mlp(h, linmat, w1f, b1f, w2f, b2f, smat, w3c):
    grid = (B // BLK,)
    return pl.pallas_call(
        _tc_body,
        grid=grid,
        in_specs=[
            pl.BlockSpec((BLK, EMBED_OUT), lambda i: (i, 0)),
            pl.BlockSpec((BLK, F), lambda i: (i, 0)),
            pl.BlockSpec((EMBED_OUT, H1), lambda i: (0, 0)),
            pl.BlockSpec((1, H1), lambda i: (0, 0)),
            pl.BlockSpec((H1, H2), lambda i: (0, 0)),
            pl.BlockSpec((1, H2), lambda i: (0, 0)),
            pl.BlockSpec((EMBED_OUT, D), lambda i: (0, 0)),
            pl.BlockSpec((1, H2 + 1), lambda i: (0, 0)),
        ],
        out_specs=pl.BlockSpec((BLK,), lambda i: (i,)),
        out_shape=jax.ShapeDtypeStruct((B,), jnp.float32),
    )(h, linmat, w1f, b1f, w2f, b2f, smat, w3c)


def kernel(x, emb_table, lin_w, lin_b, W1, b1, g1, be1, W2, b2, g2, be2,
           W3, b3):
    offsets = (jnp.arange(F, dtype=x.dtype) * VOCAB)[None, :]
    idx = (x + offsets).reshape(-1)
    lin_flat = jnp.transpose(lin_w).reshape(-1)

    rows = _make_sc_embed()(idx, emb_table)
    lin_vals = _make_sc_linear()(idx, lin_flat)
    h = rows.reshape(B, EMBED_OUT)
    linmat = lin_vals.reshape(B, F)

    bn = 1.0 / np.sqrt(1.0 + BN_EPS)
    w1f = W1 * (bn * g1)[None, :]
    b1f = (b1 * bn * g1 + be1).reshape(1, H1)
    w2f = W2 * (bn * g2)[None, :]
    b2f = (b2 * bn * g2 + be2).reshape(1, H2)
    smat = jnp.tile(jnp.eye(D, dtype=jnp.float32), (F, 1))
    w3c = jnp.concatenate([W3.reshape(1, H2), (lin_b + b3).reshape(1, 1)],
                          axis=1)
    return _tc_mlp(h, linmat, w1f, b1f, w2f, b2f, smat, w3c)

# --- scband reference (transcript-rebuilt; emitter-appended) ---
"""Pipeline reference for scband-deep-factorization-machine-model-26654567039202 (READ-ONLY COPY).

The authoritative reference and input builder live on the scoring server;
editing this copy changes nothing except your own understanding.
"""

import jax, jax.numpy as jnp
import numpy as np

FIELD_DIMS = [100000] * 26
NUM_FIELDS = len(FIELD_DIMS)
TOTAL_ROWS = sum(FIELD_DIMS)
DIM = 16
B = 16384
EMBED_OUT = NUM_FIELDS * DIM  # 416
H1, H2 = 128, 64
BN_EPS = 1e-5


def setup_inputs(seed: int = 0) -> dict:
    key = jax.random.key(seed)
    ks = jax.random.split(key, 16)
    x = jax.random.randint(ks[0], (B, NUM_FIELDS), 0, 100000, dtype=jnp.int32)
    emb_table = jax.random.normal(ks[1], (TOTAL_ROWS, DIM), dtype=jnp.float32) * 0.01
    lin_w = jax.random.normal(ks[2], (TOTAL_ROWS, 1), dtype=jnp.float32) * 0.01
    lin_b = jnp.zeros((1,), dtype=jnp.float32)
    W1 = jax.random.normal(ks[3], (EMBED_OUT, H1), dtype=jnp.float32) * (1.0 / np.sqrt(EMBED_OUT))
    b1 = jnp.zeros((H1,), dtype=jnp.float32)
    g1 = jnp.ones((H1,), dtype=jnp.float32)
    be1 = jnp.zeros((H1,), dtype=jnp.float32)
    W2 = jax.random.normal(ks[4], (H1, H2), dtype=jnp.float32) * (1.0 / np.sqrt(H1))
    b2 = jnp.zeros((H2,), dtype=jnp.float32)
    g2 = jnp.ones((H2,), dtype=jnp.float32)
    be2 = jnp.zeros((H2,), dtype=jnp.float32)
    W3 = jax.random.normal(ks[5], (H2, 1), dtype=jnp.float32) * (1.0 / np.sqrt(H2))
    b3 = jnp.zeros((1,), dtype=jnp.float32)
    return {"x": x, "emb_table": emb_table, "lin_w": lin_w, "lin_b": lin_b,
            "W1": W1, "b1": b1, "g1": g1, "be1": be1,
            "W2": W2, "b2": b2, "g2": g2, "be2": be2,
            "W3": W3, "b3": b3}


def reference(x, emb_table, lin_w, lin_b, W1, b1, g1, be1, W2, b2, g2, be2, W3, b3):
    offsets = jnp.asarray(np.concatenate(([0], np.cumsum(FIELD_DIMS)[:-1])), dtype=x.dtype)
    idx = x + offsets[None, :]  # (B, F)
    # FeaturesEmbedding: gather rows
    embed_x = jnp.take(emb_table, idx, axis=0)  # (B, F, DIM)
    # FeaturesLinear: per-feature scalar weights + bias
    linear = jnp.sum(jnp.take(lin_w, idx, axis=0), axis=1) + lin_b  # (B, 1)
    # FactorizationMachine (reduce_sum=True)
    s = jnp.sum(embed_x, axis=1)  # (B, DIM)
    square_of_sum = s * s
    sum_of_square = jnp.sum(embed_x * embed_x, axis=1)  # (B, DIM)
    fm = 0.5 * jnp.sum(square_of_sum - sum_of_square, axis=1, keepdims=True)  # (B, 1)
    # MultiLayerPerceptron: Linear -> BN(eval) -> ReLU -> Dropout(eval=id) -> ... -> Linear(->1)
    bn_scale = 1.0 / np.sqrt(1.0 + BN_EPS)
    h = embed_x.reshape(-1, EMBED_OUT)
    h = h @ W1 + b1
    h = (h * bn_scale) * g1 + be1
    h = jax.nn.relu(h)
    h = h @ W2 + b2
    h = (h * bn_scale) * g2 + be2
    h = jax.nn.relu(h)
    mlp_out = h @ W3 + b3  # (B, 1)
    out = linear + fm + mlp_out  # (B, 1)
    return out.squeeze(1)

if __name__ == "__main__":
    import jax
    _d = setup_inputs()
    print(jax.jit(kernel)(*tuple(_d.values())))

</pallas_src>

<mosaic_0001>
#map = affine_map<(d0, d1) -> (0)>
module attributes {stable_mosaic.version = 14 : i64} {
  func.func @_sc_linear(%arg0: i32, %arg1: i32, %arg2: memref<425984xi32, #tpu.memory_space<hbm>>, %arg3: memref<2600000xf32, #tpu.memory_space<hbm>>, %arg4: memref<425984xf32, #tpu.memory_space<hbm>>, %arg5: memref<1664xi32, #tpu.memory_space<vmem>>, %arg6: memref<1664xf32, #tpu.memory_space<vmem>>, %arg7: memref<!tpu.dma_semaphore, #tpu.memory_space<semaphore_mem>>) attributes {dimension_semantics = [#tpu.dimension_semantics<core_parallel>, #tpu.dimension_semantics<subcore_parallel>], iteration_bounds = array<i64: 2, 16>, scalar_prefetch = 0 : i64, scratch_operands = 3 : i64, tpu.core_type = #tpu.core_type<sc_vector_subcore>, window_params = [{transform_indices = #map}, {transform_indices = #map}, {transform_indices = #map}]} {
    %mul3A = arith.constant 2 : i32
    %mul3A_0 = arith.muli %arg1, %mul3A : i32
    %add3A = arith.addi %mul3A_0, %arg0 : i32
    %mul3A_1 = arith.constant 13312 : i32
    %mul3A_2 = arith.muli %add3A, %mul3A_1 : i32
    %scan3A = arith.constant 0 : i32
    %scan3A_3 = arith.constant 0 : i32
    %scan3A_4 = arith.constant 8 : i32
    %scan3A_5 = arith.addi %scan3A_3, %scan3A_4 : i32
    %scan3A_6 = arith.constant 1 : i32
    scf.for %scan3A_8 = %scan3A_3 to %scan3A_5 step %scan3A_6  : i32 {
      %mul3A_9 = arith.constant 1664 : i32
      %mul3A_10 = arith.muli %scan3A_8, %mul3A_9 : i32
      %add3A_11 = arith.addi %mul3A_2, %mul3A_10 : i32
      "tpu.region"() ({
        %run_scoped3A = tpu.sem_alloc : memref<!tpu.dma_semaphore, #tpu.memory_space<semaphore_mem>>
        %dma_start3A_14 = tpu.memref_slice %arg2[%add3A_11] : memref<425984xi32, #tpu.memory_space<hbm>> -> memref<1664xi32, #tpu.memory_space<hbm>>
        %dma_start3A_15 = tpu.memref_slice %arg2[%add3A_11] : memref<425984xi32, #tpu.memory_space<hbm>> -> memref<1664xi32, #tpu.memory_space<hbm>>
        tpu.enqueue_dma source(%dma_start3A_15 : memref<1664xi32, #tpu.memory_space<hbm>>) target(%arg5 : memref<1664xi32, #tpu.memory_space<vmem>>) target_semaphore(%run_scoped3A : memref<!tpu.dma_semaphore, #tpu.memory_space<semaphore_mem>>)
        %dma_wait3A_16 = tpu.memref_slice %arg2[%add3A_11] : memref<425984xi32, #tpu.memory_space<hbm>> -> memref<1664xi32, #tpu.memory_space<hbm>>
        %dma_wait3A_17 = tpu.memref_slice %arg2[%add3A_11] : memref<425984xi32, #tpu.memory_space<hbm>> -> memref<1664xi32, #tpu.memory_space<hbm>>
        tpu.wait_dma2 semaphore(%run_scoped3A : memref<!tpu.dma_semaphore, #tpu.memory_space<semaphore_mem>>) src(%dma_wait3A_17 : memref<1664xi32, #tpu.memory_space<hbm>>) dst(%arg5 : memref<1664xi32, #tpu.memory_space<vmem>>)
        tpu.yield
      }) : () -> ()
      %dma_start3A = arith.constant 0 : i32
      %dma_start3A_12 = tpu.memref_slice %arg3[%dma_start3A] : memref<2600000xf32, #tpu.memory_space<hbm>> -> memref<2600000xf32, #tpu.memory_space<hbm>>
      tpu.enqueue_indirect_dma source(%dma_start3A_12 : memref<2600000xf32, #tpu.memory_space<hbm>>) target(%arg6 : memref<1664xf32, #tpu.memory_space<vmem>>) offsets(%arg5 : memref<1664xi32, #tpu.memory_space<vmem>>) semaphore(%arg7 : memref<!tpu.dma_semaphore, #tpu.memory_space<semaphore_mem>>)
      %dma_wait3A = arith.constant 0 : i32
      %dma_wait3A_13 = tpu.memref_slice %arg3[%dma_wait3A] : memref<2600000xf32, #tpu.memory_space<hbm>> -> memref<2600000xf32, #tpu.memory_space<hbm>>
      tpu.wait_indirect_dma semaphore(%arg7 : memref<!tpu.dma_semaphore, #tpu.memory_space<semaphore_mem>>) src(%dma_wait3A_13 : memref<2600000xf32, #tpu.memory_space<hbm>>) dst(%arg6 : memref<1664xf32, #tpu.memory_space<vmem>>)
      "tpu.region"() ({
        %run_scoped3A = tpu.sem_alloc : memref<!tpu.dma_semaphore, #tpu.memory_space<semaphore_mem>>
        %dma_start3A_14 = tpu.memref_slice %arg4[%add3A_11] : memref<425984xf32, #tpu.memory_space<hbm>> -> memref<1664xf32, #tpu.memory_space<hbm>>
        %dma_start3A_15 = tpu.memref_slice %arg4[%add3A_11] : memref<425984xf32, #tpu.memory_space<hbm>> -> memref<1664xf32, #tpu.memory_space<hbm>>
        tpu.enqueue_dma source(%arg6 : memref<1664xf32, #tpu.memory_space<vmem>>) target(%dma_start3A_15 : memref<1664xf32, #tpu.memory_space<hbm>>) target_semaphore(%run_scoped3A : memref<!tpu.dma_semaphore, #tpu.memory_space<semaphore_mem>>)
        %dma_wait3A_16 = tpu.memref_slice %arg4[%add3A_11] : memref<425984xf32, #tpu.memory_space<hbm>> -> memref<1664xf32, #tpu.memory_space<hbm>>
        %dma_wait3A_17 = tpu.memref_slice %arg4[%add3A_11] : memref<425984xf32, #tpu.memory_space<hbm>> -> memref<1664xf32, #tpu.memory_space<hbm>>
        tpu.wait_dma2 semaphore(%run_scoped3A : memref<!tpu.dma_semaphore, #tpu.memory_space<semaphore_mem>>) src(%arg6 : memref<1664xf32, #tpu.memory_space<vmem>>) dst(%dma_wait3A_17 : memref<1664xf32, #tpu.memory_space<hbm>>)
        tpu.yield
      }) : () -> ()
    }
    %scan3A_7 = arith.constant 8 : i32
    return
  }
}

#map = affine_map<(d0, d1) -> (0)>
#map1 = affine_map<(d0, d1) -> (0, 0)>
module attributes {stable_mosaic.version = 14 : i64} {
  func.func @_sc_embed(%arg0: i32, %arg1: i32, %arg2: memref<425984xi32, #tpu.memory_space<hbm>>, %arg3: memref<2600000x16xf32, #tpu.memory_space<hbm>>, %arg4: memref<425984x16xf32, #tpu.memory_space<hbm>>, %arg5: memref<1664xi32, #tpu.memory_space<vmem>>, %arg6: memref<1664xi32, #tpu.memory_space<vmem>>, %arg7: memref<1664x16xf32, #tpu.memory_space<vmem>>, %arg8: memref<1664x16xf32, #tpu.memory_space<vmem>>, %arg9: memref<!tpu.dma_semaphore, #tpu.memory_space<semaphore_mem>>, %arg10: memref<!tpu.dma_semaphore, #tpu.memory_space<semaphore_mem>>, %arg11: memref<!tpu.dma_semaphore, #tpu.memory_space<semaphore_mem>>, %arg12: memref<!tpu.dma_semaphore, #tpu.memory_space<semaphore_mem>>) attributes {dimension_semantics = [#tpu.dimension_semantics<core_parallel>, #tpu.dimension_semantics<subcore_parallel>], iteration_bounds = array<i64: 2, 16>, scalar_prefetch = 0 : i64, scratch_operands = 8 : i64, tpu.core_type = #tpu.core_type<sc_vector_subcore>, window_params = [{transform_indices = #map}, {transform_indices = #map1}, {transform_indices = #map1}]} {
    %mul3A = arith.constant 2 : i32
    %mul3A_0 = arith.muli %arg1, %mul3A : i32
    %add3A = arith.addi %mul3A_0, %arg0 : i32
    %mul3A_1 = arith.constant 13312 : i32
    %mul3A_2 = arith.muli %add3A, %mul3A_1 : i32
    %add3A_3 = arith.constant 0 : i32
    %add3A_4 = arith.addi %mul3A_2, %add3A_3 : i32
    "tpu.region"() ({
      %run_scoped3A = tpu.sem_alloc : memref<!tpu.dma_semaphore, #tpu.memory_space<semaphore_mem>>
      %dma_start3A_23 = tpu.memref_slice %arg2[%add3A_4] : memref<425984xi32, #tpu.memory_space<hbm>> -> memref<1664xi32, #tpu.memory_space<hbm>>
      %dma_start3A_24 = tpu.memref_slice %arg2[%add3A_4] : memref<425984xi32, #tpu.memory_space<hbm>> -> memref<1664xi32, #tpu.memory_space<hbm>>
      tpu.enqueue_dma source(%dma_start3A_24 : memref<1664xi32, #tpu.memory_space<hbm>>) target(%arg5 : memref<1664xi32, #tpu.memory_space<vmem>>) target_semaphore(%run_scoped3A : memref<!tpu.dma_semaphore, #tpu.memory_space<semaphore_mem>>)
      %dma_wait3A_25 = tpu.memref_slice %arg2[%add3A_4] : memref<425984xi32, #tpu.memory_space<hbm>> -> memref<1664xi32, #tpu.memory_space<hbm>>
      %dma_wait3A_26 = tpu.memref_slice %arg2[%add3A_4] : memref<425984xi32, #tpu.memory_space<hbm>> -> memref<1664xi32, #tpu.memory_space<hbm>>
      tpu.wait_dma2 semaphore(%run_scoped3A : memref<!tpu.dma_semaphore, #tpu.memory_space<semaphore_mem>>) src(%dma_wait3A_26 : memref<1664xi32, #tpu.memory_space<hbm>>) dst(%arg5 : memref<1664xi32, #tpu.memory_space<vmem>>)
      tpu.yield
    }) : () -> ()
    %dma_start3A = arith.constant 0 : i32
    %dma_start3A_5 = arith.constant 0 : i32
    %dma_start3A_6 = tpu.memref_slice %arg3[%dma_start3A, %dma_start3A_5] : memref<2600000x16xf32, #tpu.memory_space<hbm>> -> memref<2600000x16xf32, #tpu.memory_space<hbm>>
    tpu.enqueue_indirect_dma source(%dma_start3A_6 : memref<2600000x16xf32, #tpu.memory_space<hbm>>) target(%arg7 : memref<1664x16xf32, #tpu.memory_space<vmem>>) offsets(%arg5 : memref<1664xi32, #tpu.memory_space<vmem>>) semaphore(%arg9 : memref<!tpu.dma_semaphore, #tpu.memory_space<semaphore_mem>>)
    %scan3A = arith.constant 0 : i32
    %scan3A_7 = arith.constant 0 : i32
    %scan3A_8 = arith.constant 4 : i32
    %scan3A_9 = arith.addi %scan3A_7, %scan3A_8 : i32
    %scan3A_10 = arith.constant 1 : i32
    scf.for %scan3A_23 = %scan3A_7 to %scan3A_9 step %scan3A_10  : i32 {
      %mul3A_24 = arith.constant 2 : i32
      %mul3A_25 = arith.muli %mul3A_24, %scan3A_23 : i32
      %gt3A = arith.constant 0 : i32
      %gt3A_26 = arith.cmpi sgt, %scan3A_23, %gt3A : i32
      %convert_element_type3A = arith.extui %gt3A_26 : i1 to i32
      %cond3A = arith.constant 0 : i32
      %cond3A_27 = arith.cmpi ne, %convert_element_type3A, %cond3A : i32
      scf.if %cond3A_27 {
        %sub3A = arith.constant 1 : i32
        %sub3A_64 = arith.subi %mul3A_25, %sub3A : i32
        %mul3A_65 = arith.constant 1664 : i32
        %mul3A_66 = arith.muli %sub3A_64, %mul3A_65 : i32
        %add3A_67 = arith.addi %mul3A_2, %mul3A_66 : i32
        %dma_wait3A_68 = arith.constant 0 : i32
        %dma_wait3A_69 = tpu.memref_slice %arg4[%add3A_67, %dma_wait3A_68] : memref<425984x16xf32, #tpu.memory_space<hbm>> -> memref<1664x16xf32, #tpu.memory_space<hbm>>
        %dma_wait3A_70 = arith.constant 0 : i32
        %dma_wait3A_71 = tpu.memref_slice %arg4[%add3A_67, %dma_wait3A_70] : memref<425984x16xf32, #tpu.memory_space<hbm>> -> memref<1664x16xf32, #tpu.memory_space<hbm>>
        tpu.wait_dma2 semaphore(%arg12 : memref<!tpu.dma_semaphore, #tpu.memory_space<semaphore_mem>>) src(%arg8 : memref<1664x16xf32, #tpu.memory_space<vmem>>) dst(%dma_wait3A_71 : memref<1664x16xf32, #tpu.memory_space<hbm>>)
      } else {
      }
      %add3A_28 = arith.constant 1 : i32
      %add3A_29 = arith.addi %mul3A_25, %add3A_28 : i32
      %mul3A_30 = arith.constant 1664 : i32
      %mul3A_31 = arith.muli %add3A_29, %mul3A_30 : i32
      %add3A_32 = arith.addi %mul3A_2, %mul3A_31 : i32
      "tpu.region"() ({
        %run_scoped3A = tpu.sem_alloc : memref<!tpu.dma_semaphore, #tpu.memory_space<semaphore_mem>>
        %dma_start3A_64 = tpu.memref_slice %arg2[%add3A_32] : memref<425984xi32, #tpu.memory_space<hbm>> -> memref<1664xi32, #tpu.memory_space<hbm>>
        %dma_start3A_65 = tpu.memref_slice %arg2[%add3A_32] : memref<425984xi32, #tpu.memory_space<hbm>> -> memref<1664xi32, #tpu.memory_space<hbm>>
        tpu.enqueue_dma source(%dma_start3A_65 : memref<1664xi32, #tpu.memory_space<hbm>>) target(%arg6 : memref<1664xi32, #tpu.memory_space<vmem>>) target_semaphore(%run_scoped3A : memref<!tpu.dma_semaphore, #tpu.memory_space<semaphore_mem>>)
        %dma_wait3A_66 = tpu.memref_slice %arg2[%add3A_32] : memref<425984xi32, #tpu.memory_space<hbm>> -> memref<1664xi32, #tpu.memory_space<hbm>>
        %dma_wait3A_67 = tpu.memref_slice %arg2[%add3A_32] : memref<425984xi32, #tpu.memory_space<hbm>> -> memref<1664xi32, #tpu.memory_space<hbm>>
        tpu.wait_dma2 semaphore(%run_scoped3A : memref<!tpu.dma_semaphore, #tpu.memory_space<semaphore_mem>>) src(%dma_wait3A_67 : memref<1664xi32, #tpu.memory_space<hbm>>) dst(%arg6 : memref<1664xi32, #tpu.memory_space<vmem>>)
        tpu.yield
      }) : () -> ()
      %dma_start3A_33 = arith.constant 0 : i32
      %dma_start3A_34 = arith.constant 0 : i32
      %dma_start3A_35 = tpu.memref_slice %arg3[%dma_start3A_33, %dma_start3A_34] : memref<2600000x16xf32, #tpu.memory_space<hbm>> -> memref<2600000x16xf32, #tpu.memory_space<hbm>>
      tpu.enqueue_indirect_dma source(%dma_start3A_35 : memref<2600000x16xf32, #tpu.memory_space<hbm>>) target(%arg8 : memref<1664x16xf32, #tpu.memory_space<vmem>>) offsets(%arg6 : memref<1664xi32, #tpu.memory_space<vmem>>) semaphore(%arg10 : memref<!tpu.dma_semaphore, #tpu.memory_space<semaphore_mem>>)
      %dma_wait3A_36 = arith.constant 0 : i32
      %dma_wait3A_37 = arith.constant 0 : i32
      %dma_wait3A_38 = tpu.memref_slice %arg3[%dma_wait3A_36, %dma_wait3A_37] : memref<2600000x16xf32, #tpu.memory_space<hbm>> -> memref<2600000x16xf32, #tpu.memory_space<hbm>>
      tpu.wait_indirect_dma semaphore(%arg9 : memref<!tpu.dma_semaphore, #tpu.memory_space<semaphore_mem>>) src(%dma_wait3A_38 : memref<2600000x16xf32, #tpu.memory_space<hbm>>) dst(%arg7 : memref<1664x16xf32, #tpu.memory_space<vmem>>)
      %mul3A_39 = arith.constant 1664 : i32
      %mul3A_40 = arith.muli %mul3A_25, %mul3A_39 : i32
      %add3A_41 = arith.addi %mul3A_2, %mul3A_40 : i32
      %dma_start3A_42 = arith.constant 0 : i32
      %dma_start3A_43 = tpu.memref_slice %arg4[%add3A_41, %dma_start3A_42] : memref<425984x16xf32, #tpu.memory_space<hbm>> -> memref<1664x16xf32, #tpu.memory_space<hbm>>
      %dma_start3A_44 = arith.constant 0 : i32
      %dma_start3A_45 = tpu.memref_slice %arg4[%add3A_41, %dma_start3A_44] : memref<425984x16xf32, #tpu.memory_space<hbm>> -> memref<1664x16xf32, #tpu.memory_space<hbm>>
      tpu.enqueue_dma source(%arg7 : memref<1664x16xf32, #tpu.memory_space<vmem>>) target(%dma_start3A_45 : memref<1664x16xf32, #tpu.memory_space<hbm>>) target_semaphore(%arg11 : memref<!tpu.dma_semaphore, #tpu.memory_space<semaphore_mem>>)
      %add3A_46 = arith.constant 1 : i32
      %add3A_47 = arith.addi %scan3A_23, %add3A_46 : i32
      %lt3A = arith.constant 4 : i32
      %lt3A_48 = arith.cmpi slt, %add3A_47, %lt3A : i32
      %convert_element_type3A_49 = arith.extui %lt3A_48 : i1 to i32
      %cond3A_50 = arith.constant 0 : i32
      %cond3A_51 = arith.cmpi ne, %convert_element_type3A_49, %cond3A_50 : i32
      scf.if %cond3A_51 {
        %mul3A_64 = arith.constant 1664 : i32
        %mul3A_65 = arith.muli %mul3A_25, %mul3A_64 : i32
        %add3A_66 = arith.addi %mul3A_2, %mul3A_65 : i32
        %dma_wait3A_67 = arith.constant 0 : i32
        %dma_wait3A_68 = tpu.memref_slice %arg4[%add3A_66, %dma_wait3A_67] : memref<425984x16xf32, #tpu.memory_space<hbm>> -> memref<1664x16xf32, #tpu.memory_space<hbm>>
        %dma_wait3A_69 = arith.constant 0 : i32
        %dma_wait3A_70 = tpu.memref_slice %arg4[%add3A_66, %dma_wait3A_69] : memref<425984x16xf32, #tpu.memory_space<hbm>> -> memref<1664x16xf32, #tpu.memory_space<hbm>>
        tpu.wait_dma2 semaphore(%arg11 : memref<!tpu.dma_semaphore, #tpu.memory_space<semaphore_mem>>) src(%arg7 : memref<1664x16xf32, #tpu.memory_space<vmem>>) dst(%dma_wait3A_70 : memref<1664x16xf32, #tpu.memory_space<hbm>>)
        %add3A_71 = arith.constant 2 : i32
        %add3A_72 = arith.addi %mul3A_25, %add3A_71 : i32
        %mul3A_73 = arith.constant 1664 : i32
        %mul3A_74 = arith.muli %add3A_72, %mul3A_73 : i32
        %add3A_75 = arith.addi %mul3A_2, %mul3A_74 : i32
        "tpu.region"() ({
          %run_scoped3A = tpu.sem_alloc : memref<!tpu.dma_semaphore, #tpu.memory_space<semaphore_mem>>
          %dma_start3A_79 = tpu.memref_slice %arg2[%add3A_75] : memref<425984xi32, #tpu.memory_space<hbm>> -> memref<1664xi32, #tpu.memory_space<hbm>>
          %dma_start3A_80 = tpu.memref_slice %arg2[%add3A_75] : memref<425984xi32, #tpu.memory_space<hbm>> -> memref<1664xi32, #tpu.memory_space<hbm>>
          tpu.enqueue_dma source(%dma_start3A_80 : memref<1664xi32, #tpu.memory_space<hbm>>) target(%arg5 : memref<1664xi32, #tpu.memory_space<vmem>>) target_semaphore(%run_scoped3A : memref<!tpu.dma_semaphore, #tpu.memory_space<semaphore_mem>>)
          %dma_wait3A_81 = tpu.memref_slice %arg2[%add3A_75] : memref<425984xi32, #tpu.memory_space<hbm>> -> memref<1664xi32, #tpu.memory_space<hbm>>
          %dma_wait3A_82 = tpu.memref_slice %arg2[%add3A_75] : memref<425984xi32, #tpu.memory_space<hbm>> -> memref<1664xi32, #tpu.memory_space<hbm>>
          tpu.wait_dma2 semaphore(%run_scoped3A : memref<!tpu.dma_semaphore, #tpu.memory_space<semaphore_mem>>) src(%dma_wait3A_82 : memref<1664xi32, #tpu.memory_space<hbm>>) dst(%arg5 : memref<1664xi32, #tpu.memory_space<vmem>>)
          tpu.yield
        }) : () -> ()
        %dma_start3A_76 = arith.constant 0 : i32
        %dma_start3A_77 = arith.constant 0 : i32
        %dma_start3A_78 = tpu.memref_slice %arg3[%dma_start3A_76, %dma_start3A_77] : memref<2600000x16xf32, #tpu.memory_space<hbm>> -> memref<2600000x16xf32, #tpu.memory_space<hbm>>
        tpu.enqueue_indirect_dma source(%dma_start3A_78 : memref<2600000x16xf32, #tpu.memory_space<hbm>>) target(%arg7 : memref<1664x16xf32, #tpu.memory_space<vmem>>) offsets(%arg5 : memref<1664xi32, #tpu.memory_space<vmem>>) semaphore(%arg9 : memref<!tpu.dma_semaphore, #tpu.memory_space<semaphore_mem>>)
      } else {
      }
      %add3A_52 = arith.constant 1 : i32
      %add3A_53 = arith.addi %mul3A_25, %add3A_52 : i32
      %dma_wait3A_54 = arith.constant 0 : i32
      %dma_wait3A_55 = arith.constant 0 : i32
      %dma_wait3A_56 = tpu.memref_slice %arg3[%dma_wait3A_54, %dma_wait3A_55] : memref<2600000x16xf32, #tpu.memory_space<hbm>> -> memref<2600000x16xf32, #tpu.memory_space<hbm>>
      tpu.wait_indirect_dma semaphore(%arg10 : memref<!tpu.dma_semaphore, #tpu.memory_space<semaphore_mem>>) src(%dma_wait3A_56 : memref<2600000x16xf32, #tpu.memory_space<hbm>>) dst(%arg8 : memref<1664x16xf32, #tpu.memory_space<vmem>>)
      %mul3A_57 = arith.constant 1664 : i32
      %mul3A_58 = arith.muli %add3A_53, %mul3A_57 : i32
      %add3A_59 = arith.addi %mul3A_2, %mul3A_58 : i32
      %dma_start3A_60 = arith.constant 0 : i32
      %dma_start3A_61 = tpu.memref_slice %arg4[%add3A_59, %dma_start3A_60] : memref<425984x16xf32, #tpu.memory_space<hbm>> -> memref<1664x16xf32, #tpu.memory_space<hbm>>
      %dma_start3A_62 = arith.constant 0 : i32
      %dma_start3A_63 = tpu.memref_slice %arg4[%add3A_59, %dma_start3A_62] : memref<425984x16xf32, #tpu.memory_space<hbm>> -> memref<1664x16xf32, #tpu.memory_space<hbm>>
      tpu.enqueue_dma source(%arg8 : memref<1664x16xf32, #tpu.memory_space<vmem>>) target(%dma_start3A_63 : memref<1664x16xf32, #tpu.memory_space<hbm>>) target_semaphore(%arg12 : memref<!tpu.dma_semaphore, #tpu.memory_space<semaphore_mem>>)
    }
    %scan3A_11 = arith.constant 4 : i32
    %add3A_12 = arith.constant 9984 : i32
    %add3A_13 = arith.addi %mul3A_2, %add3A_12 : i32
    %dma_wait3A = arith.constant 0 : i32
    %dma_wait3A_14 = tpu.memref_slice %arg4[%add3A_13, %dma_wait3A] : memref<425984x16xf32, #tpu.memory_space<hbm>> -> memref<1664x16xf32, #tpu.memory_space<hbm>>
    %dma_wait3A_15 = arith.constant 0 : i32
    %dma_wait3A_16 = tpu.memref_slice %arg4[%add3A_13, %dma_wait3A_15] : memref<425984x16xf32, #tpu.memory_space<hbm>> -> memref<1664x16xf32, #tpu.memory_space<hbm>>
    tpu.wait_dma2 semaphore(%arg11 : memref<!tpu.dma_semaphore, #tpu.memory_space<semaphore_mem>>) src(%arg7 : memref<1664x16xf32, #tpu.memory_space<vmem>>) dst(%dma_wait3A_16 : memref<1664x16xf32, #tpu.memory_space<hbm>>)
    %add3A_17 = arith.constant 11648 : i32
    %add3A_18 = arith.addi %mul3A_2, %add3A_17 : i32
    %dma_wait3A_19 = arith.constant 0 : i32
    %dma_wait3A_20 = tpu.memref_slice %arg4[%add3A_18, %dma_wait3A_19] : memref<425984x16xf32, #tpu.memory_space<hbm>> -> memref<1664x16xf32, #tpu.memory_space<hbm>>
    %dma_wait3A_21 = arith.constant 0 : i32
    %dma_wait3A_22 = tpu.memref_slice %arg4[%add3A_18, %dma_wait3A_21] : memref<425984x16xf32, #tpu.memory_space<hbm>> -> memref<1664x16xf32, #tpu.memory_space<hbm>>
    tpu.wait_dma2 semaphore(%arg12 : memref<!tpu.dma_semaphore, #tpu.memory_space<semaphore_mem>>) src(%arg8 : memref<1664x16xf32, #tpu.memory_space<vmem>>) dst(%dma_wait3A_22 : memref<1664x16xf32, #tpu.memory_space<hbm>>)
    return
  }
}

module attributes {stable_mosaic.version = 14 : i64} {
  func.func @_tc_body(%arg0: i32, %arg1: memref<1024x416xf32, #tpu.memory_space<vmem>>, %arg2: memref<1024x26xf32, #tpu.memory_space<vmem>>, %arg3: memref<416x128xf32, #tpu.memory_space<vmem>>, %arg4: memref<1x128xf32, #tpu.memory_space<vmem>>, %arg5: memref<128x64xf32, #tpu.memory_space<vmem>>, %arg6: memref<1x64xf32, #tpu.memory_space<vmem>>, %arg7: memref<416x16xf32, #tpu.memory_space<vmem>>, %arg8: memref<1x65xf32, #tpu.memory_space<vmem>>, %arg9: memref<1024xf32, #tpu.memory_space<vmem>>) attributes {dimension_semantics = [#tpu.dimension_semantics<arbitrary>], iteration_bounds = array<i64: 16>, scalar_prefetch = 0 : i64, scratch_operands = 0 : i64, tpu.core_type = #tpu.core_type<tc>, window_params = [{transform_indices = @transform_0, window_bounds = array<i64: 1024, 416>}, {transform_indices = @transform_1, window_bounds = array<i64: 1024, 26>}, {pipeline_mode = #tpu.pipeline_mode<synchronous>, transform_indices = @transform_2, window_bounds = array<i64: 416, 128>}, {pipeline_mode = #tpu.pipeline_mode<synchronous>, transform_indices = @transform_3, window_bounds = array<i64: 1, 128>}, {pipeline_mode = #tpu.pipeline_mode<synchronous>, transform_indices = @transform_4, window_bounds = array<i64: 128, 64>}, {pipeline_mode = #tpu.pipeline_mode<synchronous>, transform_indices = @transform_5, window_bounds = array<i64: 1, 64>}, {pipeline_mode = #tpu.pipeline_mode<synchronous>, transform_indices = @transform_6, window_bounds = array<i64: 416, 16>}, {pipeline_mode = #tpu.pipeline_mode<synchronous>, transform_indices = @transform_7, window_bounds = array<i64: 1, 65>}, {transform_indices = @transform_8, window_bounds = array<i64: 1024>}]} {
    %get3A = arith.constant 0 : index
    %get3A_0 = arith.constant 0 : index
    %get3A_1 = vector.load %arg1[%get3A, %get3A_0] : memref<1024x416xf32, #tpu.memory_space<vmem>>, vector<1024x416xf32>
    %get3A_2 = arith.constant 0 : index
    %get3A_3 = arith.constant 0 : index
    %get3A_4 = vector.load %arg2[%get3A_2, %get3A_3] : memref<1024x26xf32, #tpu.memory_space<vmem>>, vector<1024x26xf32>
    %reduce_sum3A = arith.constant dense<0.000000e+00> : vector<1024xf32>
    %reduce_sum3A_5 = vector.multi_reduction <add>, %get3A_4, %reduce_sum3A [1] : vector<1024x26xf32> to vector<1024xf32>
    %mul3A = arith.mulf %get3A_1, %get3A_1 : vector<1024x416xf32>
    %reduce_sum3A_6 = arith.constant dense<0.000000e+00> : vector<1024xf32>
    %reduce_sum3A_7 = vector.multi_reduction <add>, %mul3A, %reduce_sum3A_6 [1] : vector<1024x416xf32> to vector<1024xf32>
    %get3A_8 = arith.constant 0 : index
    %get3A_9 = arith.constant 0 : index
    %get3A_10 = vector.load %arg7[%get3A_8, %get3A_9] : memref<416x16xf32, #tpu.memory_space<vmem>>, vector<416x16xf32>
    %dot_general3A = arith.constant dense<0.000000e+00> : vector<1024x16xf32>
    %dot_general3A_11 = tpu.matmul %get3A_1, %get3A_10, %dot_general3A {dimension_numbers = #tpu.dot_dimension_numbers<[1], [0], [0], [1], [0, 0, 1, 1], [], []>, transpose_lhs_hint = false} : vector<1024x416xf32>, vector<416x16xf32>, vector<1024x16xf32> -> vector<1024x16xf32>
    %mul3A_12 = arith.mulf %dot_general3A_11, %dot_general3A_11 : vector<1024x16xf32>
    %reduce_sum3A_13 = arith.constant dense<0.000000e+00> : vector<1024xf32>
    %reduce_sum3A_14 = vector.multi_reduction <add>, %mul3A_12, %reduce_sum3A_13 [1] : vector<1024x16xf32> to vector<1024xf32>
    %sub3A = arith.subf %reduce_sum3A_14, %reduce_sum3A_7 : vector<1024xf32>
    %mul3A_15 = arith.constant 5.000000e-01 : f32
    %mul3A_16 = vector.broadcast %mul3A_15 : f32 to vector<1024xf32>
    %mul3A_17 = arith.mulf %mul3A_16, %sub3A : vector<1024xf32>
    %get3A_18 = arith.constant 0 : index
    %get3A_19 = arith.constant 0 : index
    %get3A_20 = vector.load %arg3[%get3A_18, %get3A_19] : memref<416x128xf32, #tpu.memory_space<vmem>>, vector<416x128xf32>
    %dot_general3A_21 = arith.constant dense<0.000000e+00> : vector<1024x128xf32>
    %dot_general3A_22 = tpu.matmul %get3A_1, %get3A_20, %dot_general3A_21 {dimension_numbers = #tpu.dot_dimension_numbers<[1], [0], [0], [1], [0, 0, 1, 1], [], []>, transpose_lhs_hint = false} : vector<1024x416xf32>, vector<416x128xf32>, vector<1024x128xf32> -> vector<1024x128xf32>
    %get3A_23 = arith.constant 0 : index
    %get3A_24 = arith.constant 0 : index
    %get3A_25 = vector.load %arg4[%get3A_23, %get3A_24] : memref<1x128xf32, #tpu.memory_space<vmem>>, vector<1x128xf32>
    %add3A = vector.broadcast %get3A_25 : vector<1x128xf32> to vector<1024x128xf32>
    %add3A_26 = arith.addf %dot_general3A_22, %add3A : vector<1024x128xf32>
    %max3A = arith.constant 0.000000e+00 : f32
    %max3A_27 = vector.broadcast %max3A : f32 to vector<1024x128xf32>
    %max3A_28 = arith.maximumf %add3A_26, %max3A_27 : vector<1024x128xf32>
    %get3A_29 = arith.constant 0 : index
    %get3A_30 = arith.constant 0 : index
    %get3A_31 = vector.load %arg5[%get3A_29, %get3A_30] : memref<128x64xf32, #tpu.memory_space<vmem>>, vector<128x64xf32>
    %dot_general3A_32 = arith.constant dense<0.000000e+00> : vector<1024x64xf32>
    %dot_general3A_33 = tpu.matmul %max3A_28, %get3A_31, %dot_general3A_32 {dimension_numbers = #tpu.dot_dimension_numbers<[1], [0], [0], [1], [0, 0, 1, 1], [], []>, transpose_lhs_hint = false} : vector<1024x128xf32>, vector<128x64xf32>, vector<1024x64xf32> -> vector<1024x64xf32>
    %get3A_34 = arith.constant 0 : index
    %get3A_35 = arith.constant 0 : index
    %get3A_36 = vector.load %arg6[%get3A_34, %get3A_35] : memref<1x64xf32, #tpu.memory_space<vmem>>, vector<1x64xf32>
    %add3A_37 = vector.broadcast %get3A_36 : vector<1x64xf32> to vector<1024x64xf32>
    %add3A_38 = arith.addf %dot_general3A_33, %add3A_37 : vector<1024x64xf32>
    %max3A_39 = arith.constant 0.000000e+00 : f32
    %max3A_40 = vector.broadcast %max3A_39 : f32 to vector<1024x64xf32>
    %max3A_41 = arith.maximumf %add3A_38, %max3A_40 : vector<1024x64xf32>
    %get3A_42 = arith.constant 0 : index
    %get3A_43 = arith.constant 0 : index
    %get3A_44 = vector.load %arg8[%get3A_42, %get3A_43] : memref<1x65xf32, #tpu.memory_space<vmem>>, vector<1x65xf32>
    %slice3A = vector.extract_strided_slice %get3A_44 {offsets = [0, 0], sizes = [1, 64], strides = [1, 1]} : vector<1x65xf32> to vector<1x64xf32>
    %mul3A_45 = vector.broadcast %slice3A : vector<1x64xf32> to vector<1024x64xf32>
    %mul3A_46 = arith.mulf %max3A_41, %mul3A_45 : vector<1024x64xf32>
    %reduce_sum3A_47 = arith.constant dense<0.000000e+00> : vector<1024xf32>
    %reduce_sum3A_48 = vector.multi_reduction <add>, %mul3A_46, %reduce_sum3A_47 [1] : vector<1024x64xf32> to vector<1024xf32>
    %get3A_49 = arith.constant 0 : index
    %get3A_50 = arith.constant 64 : index
    %get3A_51 = vector.load %arg8[%get3A_49, %get3A_50] : memref<1x65xf32, #tpu.memory_space<vmem>>, vector<1x1xf32>
    %get3A_52 = vector.extract %get3A_51[0, 0] : f32 from vector<1x1xf32>
    %add3A_53 = vector.broadcast %get3A_52 : f32 to vector<1024xf32>
    %add3A_54 = arith.addf %reduce_sum3A_48, %add3A_53 : vector<1024xf32>
    %add3A_55 = arith.addf %reduce_sum3A_5, %mul3A_17 : vector<1024xf32>
    %add3A_56 = arith.addf %add3A_55, %add3A_54 : vector<1024xf32>
    %swap3A = arith.constant 0 : index
    %swap3A_57 = vector.load %arg9[%swap3A] : memref<1024xf32, #tpu.memory_space<vmem>>, vector<1024xf32>
    tpu.vector_store %arg9[%swap3A], %add3A_56 {strides = array<i32>} : memref<1024xf32, #tpu.memory_space<vmem>>, vector<1024xf32>,
    return
  }
  func.func @transform_0(%arg0: i32) -> (i32, i32) {
    %c0_i32 = arith.constant 0 : i32
    %c0_i32_0 = arith.constant 0 : i32
    return %arg0, %c0_i32 : i32, i32
  }
  func.func @transform_1(%arg0: i32) -> (i32, i32) {
    %c0_i32 = arith.constant 0 : i32
    %c0_i32_0 = arith.constant 0 : i32
    return %arg0, %c0_i32 : i32, i32
  }
  func.func @transform_2(%arg0: i32) -> (i32, i32) {
    %c0_i32 = arith.constant 0 : i32
    %c0_i32_0 = arith.constant 0 : i32
    %c0_i32_1 = arith.constant 0 : i32
    return %c0_i32, %c0_i32_0 : i32, i32
  }
  func.func @transform_3(%arg0: i32) -> (i32, i32) {
    %c0_i32 = arith.constant 0 : i32
    %c0_i32_0 = arith.constant 0 : i32
    %c0_i32_1 = arith.constant 0 : i32
    return %c0_i32, %c0_i32_0 : i32, i32
  }
  func.func @transform_4(%arg0: i32) -> (i32, i32) {
    %c0_i32 = arith.constant 0 : i32
    %c0_i32_0 = arith.constant 0 : i32
    %c0_i32_1 = arith.constant 0 : i32
    return %c0_i32, %c0_i32_0 : i32, i32
  }
  func.func @transform_5(%arg0: i32) -> (i32, i32) {
    %c0_i32 = arith.constant 0 : i32
    %c0_i32_0 = arith.constant 0 : i32
    %c0_i32_1 = arith.constant 0 : i32
    return %c0_i32, %c0_i32_0 : i32, i32
  }
  func.func @transform_6(%arg0: i32) -> (i32, i32) {
    %c0_i32 = arith.constant 0 : i32
    %c0_i32_0 = arith.constant 0 : i32
    %c0_i32_1 = arith.constant 0 : i32
    return %c0_i32, %c0_i32_0 : i32, i32
  }
  func.func @transform_7(%arg0: i32) -> (i32, i32) {
    %c0_i32 = arith.constant 0 : i32
    %c0_i32_0 = arith.constant 0 : i32
    %c0_i32_1 = arith.constant 0 : i32
    return %c0_i32, %c0_i32_0 : i32, i32
  }
  func.func @transform_8(%arg0: i32) -> i32 {
    %c0_i32 = arith.constant 0 : i32
    return %arg0 : i32
  }
}

</mosaic_0001>

<sc_bundles>
// kernel: kernel.5.cloned.1.call-start
scs
__scs_entry_jumppad:
0x0: {  	(pc) =	sbr.rel $0x88, $3  }
0x1: {  	(tag) =	ssettag $0x0;
	lr =	simm.s32 $0x1  }
0x2: {  	[smem:$0x3F93] =	sst lr;
	_ =	strace $0xD0000000  }
0x3: {  	_ = 	snop  }
0x4: {  	_ = 	snop  }
0x5: {  	_ = 	snop  }
0x6: {  	_ = 	snop  }
0x7: {  	_ = 	snop  }
__scs_overlays_trampoline_lowered:
0x8: {  	[smem:$0x3FA2] =	sst s0  }
0x9: {  	[smem:$0x3FA3] =	sst s1  }
0xa: {  	[smem:$0x3FA4] =	sst s2  }
0xb: {  	[smem:$0x3FA5] =	sst s3  }
0xc: {  	[smem:$0x3FA6] =	sst s4  }
0xd: {  	[smem:$0x3FA7] =	sst s5  }
0xe: {  	[smem:$0x3FA8] =	sst s6  }
0xf: {  	[smem:$0x3FA9] =	sst s7  }
0x10: {  	[smem:$0x3FAA] =	sst s8  }
0x11: {  	[smem:$0x3FAB] =	sst s9;
	s0 =	simm.s32 @!p0 $0x0  }
0x12: {  	s1 =	sld [smem:$0x3F91];
	s0 =	simm.s32 @p0 $0x1  }
0x13: {  	[smem:$0x3FAC] =	sst s0;
	s0 =	simm.s32 @!p1 $0x0  }
0x14: {  	s2 =	sld [smem:$0x3F90];
	s0 =	simm.s32 @p1 $0x1  }
0x15: {  	[smem:$0x3FAD] =	sst s0;
	s0 =	simm.s32 @!p2 $0x0  }
0x16: {  	s3 =	sld [smem:$0x3FDB];
	s0 =	simm.s32 @p2 $0x1  }
0x17: {  	s4 =	simm.s32 $0x1BF5;
	[smem:$0x3FAF] =	sst s0  }
0x18: {  	s0 =	sld [smem:$0x3F92];
	_ =	swait.ge [sflag:s4], $0x0  }
0x19: {  	s7 =	sld [smem:$0x3F93]  }
0x1a: {  	s8 =	sadd.s32 $0xFFFFE003, lr  }
0x1b: {  	s9 =	sadd.s32 $0xFFFFFEF7, lr;
	s5 =	simm.s32 $0xFFFFFFFF;
	p2 =	slt.u32 s8, $0xFFFFF086  }
0x1c: {  	p1 =	slt.u32 s9, $0xF7A;
	s5 =	simm.s32 @!p2 $0x0  }
0x1d: {  	s5 =	simm.s32 @p1 $0x1;
	p0 =	seq.s32 s7, s2  }
0x1e: {  	s7 =	smul.u32 @!p0 $0xF7A, s2;
	p2 =	seq.s32 @!p0 s5, $0x0  }
0x1f: {  	s9 =	smul.u32 $0xF7A, s1;
	s8 =	simm.s32 @!p0 $0x1BF5;
	p2 =	por !p2, p0  }
0x20: {  	[sflag:s8] =	ssyncset.s32 @!p0 $0xFFFFF086;
	s6 =	sadd.s32 @!p0 s3, s7;
	s7 =	simm.s32 @!p0 $0x108  }
0x21: {  	s3 =	sadd.s32 s3, s9;
	s6 =	sadd.s32 @!p0 $0x88, s6;
	s7 =	simm.s32 @p2 $0x1082  }
0x22: {  	[simem:s7], [sflag:s8] =	dma.local @!p0 [hbm:s6], $0xF7A  }
0x23: {  	s9 =	sor.u32 $0xD0000000, s2;
	s6 =	simm.s32 $0x108;
	_ =	swait.ge @!p0 [sflag:s8], $0x0  }
0x24: {  	s3 =	sadd.s32 $0x88, s3;
	s6 =	simm.s32 @!p1 $0x1082;
	[sflag:s4] =	ssyncset.s32 $0xFFFFF086  }
0x25: {  	[simem:s6], [sflag:s4] =	dma.local [hbm:s3], $0xF7A  }
0x26: {  	[smem:$0x3F93] =	sst s1;
	(tag) =	ssettag s2;
	_ =	strace s9  }
0x27: {  	s1 =	sld [smem:$0x3FA3]  }
0x28: {  	s2 =	sld [smem:$0x3FA4]  }
0x29: {  	s4 =	sld [smem:$0x3FA6]  }
0x2a: {  	p0 =	seq.s32 s5, $0x0;
	s5 =	sld [smem:$0x3FA7]  }
0x2b: {  	s6 =	sld [smem:$0x3FA8]  }
0x2c: {  	s7 =	sld [smem:$0x3FA9]  }
0x2d: {  	s3 =	simm.s32 $0x108;
	s8 =	sld [smem:$0x3FAA]  }
0x2e: {  	s3 =	simm.s32 @!p0 $0x1082;
	s9 =	sld [smem:$0x3FAB]  }
0x2f: {  	lr =	sadd.s32 s0, s3;
	s0 =	sld [smem:$0x3FA2]  }
0x30: {  	s3 =	sld [smem:$0x3FA5]  }
0x31: {  	[smem:$0x3FAE] =	sst s10  }
0x32: {  	s10 =	sld [smem:$0x3FAC];
	_ =	sdelay $0x3  }
0x33: {  	p0 =	seq.s32 s10, $0x1;
	s10 =	sld [smem:$0x3FAE];
	_ =	sdelay $0x3  }
0x34: {  	[smem:$0x3FAE] =	sst s10  }
0x35: {  	s10 =	sld [smem:$0x3FAD];
	_ =	sdelay $0x3  }
0x36: {  	p1 =	seq.s32 s10, $0x1;
	s10 =	sld [smem:$0x3FAE];
	_ =	sdelay $0x3  }
0x37: {  	[smem:$0x3FAE] =	sst s10  }
0x38: {  	s10 =	sld [smem:$0x3FAF]  }
0x39: {  	_ = 	snop;
	(pc) =	sbr.ind lr, $3  }
0x3a: {  	_ = 	snop  }
0x3b: {  	_ = 	snop  }
0x3c: {  	p2 =	seq.s32 s10, $0x1;
	s10 =	sld [smem:$0x3FAE]  }
0x3d: {  	_ =	shalt  }
0x3e: {  	_ =	shalt  }
0x3f: {  	_ =	shalt  }
0x40: {  	_ =	shalt  }
0x41: {  	_ =	shalt  }
0x42: {  	_ =	shalt  }
0x43: {  	_ =	shalt  }
0x44: {  	_ =	shalt  }
0x45: {  	_ =	shalt  }
0x46: {  	_ =	shalt  }
0x47: {  	_ =	shalt  }
0x48: {  	_ =	shalt  }
0x49: {  	_ =	shalt  }
0x4a: {  	_ =	shalt  }
0x4b: {  	_ =	shalt  }
0x4c: {  	_ =	shalt  }
0x4d: {  	_ =	shalt  }
0x4e: {  	_ =	shalt  }
0x4f: {  	_ =	shalt  }
0x50: {  	_ =	shalt  }
0x51: {  	_ =	shalt  }
0x52: {  	_ =	shalt  }
0x53: {  	_ =	shalt  }
0x54: {  	_ =	shalt  }
0x55: {  	_ =	shalt  }
0x56: {  	_ =	shalt  }
0x57: {  	_ =	shalt  }
0x58: {  	_ =	shalt  }
0x59: {  	_ =	shalt  }
0x5a: {  	_ =	shalt  }
0x5b: {  	_ =	shalt  }
0x5c: {  	_ =	shalt  }
0x5d: {  	_ =	shalt  }
0x5e: {  	_ =	shalt  }
0x5f: {  	_ =	shalt  }
0x60: {  	_ =	shalt  }
0x61: {  	_ =	shalt  }
0x62: {  	_ =	shalt  }
0x63: {  	_ =	shalt  }
0x64: {  	_ =	shalt  }
0x65: {  	_ =	shalt  }
0x66: {  	_ =	shalt  }
0x67: {  	_ =	shalt  }
0x68: {  	_ =	shalt  }
0x69: {  	_ =	shalt  }
0x6a: {  	_ =	shalt  }
0x6b: {  	_ =	shalt  }
0x6c: {  	_ =	shalt  }
0x6d: {  	_ =	shalt  }
0x6e: {  	_ =	shalt  }
0x6f: {  	_ =	shalt  }
0x70: {  	_ =	shalt  }
0x71: {  	_ =	shalt  }
0x72: {  	_ =	shalt  }
0x73: {  	_ =	shalt  }
0x74: {  	_ =	shalt  }
0x75: {  	_ =	shalt  }
0x76: {  	_ =	shalt  }
0x77: {  	_ =	shalt  }
0x78: {  	_ =	shalt  }
0x79: {  	_ =	shalt  }
0x7a: {  	_ =	shalt  }
0x7b: {  	_ =	shalt  }
0x7c: {  	_ =	shalt  }
0x7d: {  	_ =	shalt  }
0x7e: {  	_ =	shalt  }
0x7f: {  	_ =	shalt  }
0x80: {  	_ =	shalt  }
0x81: {  	_ =	shalt  }
0x82: {  	_ =	shalt  }
0x83: {  	_ =	shalt  }
0x84: {  	_ =	shalt  }
0x85: {  	_ =	shalt  }
0x86: {  	_ =	shalt  }
0x87: {  	_ =	shalt  }
.Lfunc_end0:
.L_simem_size_0:
called_computation_lowered:
.L_overlay_start_0:
0x88: {  	s2 =	sld [smem:$0x3FD9]  }
0x89: {  	s3 =	sld [smem:$0x3FFE];
	_ =	sdelay $0x1  }
0x8a: {  	s1 =	srdreg.scid  }
0x8b: {  	s0 =	sand.u32 $0x1, s1  }
0x8c: {  	s16 =	sshll.u32 s0, $0xA;
	s2 =	sadd.s32 s3, s2  }
0x8d: {  	s2 =	sadd.s32 s2, s16  }
0x8e: {  	[smem:$0x3FBA] =	sst s2  }
0x8f: {  	_ = 	snop  }
0x90: {  	(tm) =	ssettm $0x1  }
0x91: {  	s17 =	sld [smem:$0x3FFB];
	_ =	sdelay $0x3  }
0x92: {  	_ =	strace s17  }
0x93: {  	s2 =	sld [smem:$0x3FFC];
	_ =	sdelay $0x3  }
0x94: {  	_ =	strace s2  }
0x95: {  	s2 =	sld [smem:$0x3FFD];
	_ =	sdelay $0x3  }
0x96: {  	_ =	strace s2  }
0x97: {  	_ =	strace $0x8FFFFFFF  }
0x98: {  	s18 =	sld [smem:$0x3FDB];
	_ =	sdelay $0x1  }
0x99: {  	s19 =	simm.s32 $_scs_section_size  }
0x9a: {  	s4 =	simm.s32 $_size__tile_overlayer_lowered;
	s5 =	simm.s32 $_tile_overlayer_lowered  }
0x9b: {  	s22 =	simm.s32 $0x1BFF;
	s21 =	sshll.u32 s5, $0x1;
	s2 =	sadd.s32 s19, s18  }
0x9c: {  	s6 =	simm.s32 $0x0;
	s20 =	sshll.u32 s4, $0x1;
	s4 =	sadd.s32 s21, s2  }
0x9d: {  	[timem:s6], [sflag:s22] =	dma.local [hbm:s4], s20  }
0x9e: {  	_ =	swait.ge [sflag:s22], s20  }
0x9f: {  	s3 =	ssub.s32 $0x0, s20;
	[sflag:s22] =	ssyncset.done $0x0  }
0xa0: {  	[sflag:s22] =	ssyncadd.s32 s3;
	_ =	sdelay $0x1  }
0xa1: {  	s23 =	simm.s32 $0x1B8B  }
0xa2: {  	_ =	swait.ge [sflag:s23], $0x1  }
0xa3: {  	[sflag:s23] =	ssyncset.done $0x0  }
0xa4: {  	s25 =	simm.s32 $0x1B8E;
	s24 =	sld [smem:$0x3FFE];
	[sflag:s23] =	ssyncadd.s32 $0xFFFFFFFF  }
0xa5: {  	s26 =	simm.s32 $execute0_lowered;
	[smem:$0x3FD2] =	sst s25  }
0xa6: {  	s4 =	sshll.u32 s26, $0x1;
	_ =	strace $0x80000046;
	[dreg:$0x1] =	wrdreg $0xFFFFFFFF  }
0xa7: {  	s28 =	simm.s32 $_size_execute0_lowered;
	s2 =	sadd.s32 s2, s4;
	[dreg:$0x0] =	wrdreg $0x0  }
0xa8: {  	s4 =	sshll.u32 s28, $0x1;
	[dreg:$0x2] =	wrdreg s2  }
0xa9: {  	[dreg:$0x3] =	wrdreg s4  }
0xaa: {  	[dreg:$0x4] =	wrdreg $0xC0  }
0xab: {  	_ =	task [dreg:s6], $0x5FFFF  }
0xac: {  	[dreg:$0x1] =	wrdreg $0xFFFFFFFF  }
0xad: {  	[dreg:$0x0] =	wrdreg $0x60  }
0xae: {  	[dreg:$0x2] =	wrdreg s24  }
0xaf: {  	[dreg:$0x3] =	wrdreg $0x9  }
0xb0: {  	_ =	task.clear_ibuf [dreg:s6], $0x4FFFF;
	_ =	strace $0x90000046  }
0xb1: {  	s29 =	simm.s32 $0x9;
	_ =	strace $0x80000048  }
0xb2: {  	_ =	swait.ge [sflag:s29], $0x1  }
0xb3: {  	[sflag:s29] =	ssyncadd.s32 $0xFFFFFFFF  }
0xb4: {  	_ =	strace $0x90000048  }
0xb5: {  	_ =	sfence  }
0xb6: {  	s30 =	sld [smem:$0x0];
	_ =	sdelay $0x2  }
0xb7: {  	s31 =	sshll.u32 s1, $0xD;
	s1 =	sshrl.u32 s1, $0x2  }
0xb8: {  	s3 =	sand.u32 $0x4000, s31;
	s1 =	sadd.s32 s1, s30  }
0xb9: {  	s0 =	sor.u32 s3, s0;
	s1 =	sshll.u32 s1, $0x11  }
0xba: {  	s0 =	sor.u32 s1, s0  }
0xbb: {  	s0 =	sadd.s32 $0x8F2B, s0  }
0xbc: {  	[sflag:s0] =	ssyncadd.remote.s32 $0x1  }
0xbd: {  	_ =	sfence.sel $0xFFFF  }
0xbe: {  	[dreg:$0x0] =	wrdreg $0xFFFFFFFF;
	(pc) =	sbr.abs _section_cstart, $3  }
0xbf: {  	[dreg:$0x1] =	wrdreg $0xFFFFFFFF  }
0xc0: {  	_ =	task.clear_ibuf [dreg:s6], $0x2FFFF;
	_ =	strace $0x9FFFFFFF  }
0xc1: {  	(tm) =	ssettm $0x7FFFFFFF  }
tec
execute0_lowered:
.L_overlay_start_1:
0x0: {  	(tag) =	ssettag $0x1  }
0x1: {  	s1 =	srdreg.scid;
	s0 =	stileid.u32  }
0x2: {  	s29 =	sand.u32 $0x1, s1;
	s30 =	sshll.u32 s0, $0x1  }
0x3: {  	s11 =	sor.u32 s29, s30  }
0x4: {  	s26 =	smul.u32 $0x3400, s11  }
0x5: {  	s12 =	rddreg [dreg:$0x0];
	s2 =	simm.s32 $0x0;
	s4 =	simm.s32 $0x5  }
0x6: {  	[smem:$0x7FF] =	sst s2;
	s25 =	sadd.s32 $0x1C00, s12;
	s3 =	sshrl.u32 s26, $0x3  }
0x7: {  	s1 =	rddreg [dreg:$0x1];
	_ =	strace $0x80000047;
	s3 =	sadd.s32 s25, s3  }
0x8: {  	[tilespmem:s2], [sflag:$0x5] =	stream.linear.gather [hbm4b:s3+s2], $0x680, $0x38;
	[tilespmem:$0xDD00] =	vst v63  }
0x9: {  	s6 =	simm.s32 $0x680;
	_ =	swait.ge [sflag:s4], $0x680  }
0xa: {  	s7 =	simm.s32 $0xD00;
	s15 =	sadd.s32 $0x680, s26;
	[sflag:s4] =	ssyncset.done $0x0  }
0xb: {  	s5 =	sadd.s32 $0x27BB000, s12;
	s8 =	sshrl.u32 s15, $0x3;
	[sflag:s4] =	ssyncadd.s32 $0xFFFFF980  }
0xc: {  	[tilespmem:s7], [sflag:$0x1] =	stream.indirect.gather [hbm4b:s5+s6], $0x10, s2, s6, $0xb8;
	[tilespmem:$0xDD00] =	vst v63  }
0xd: {  	s8 =	sadd.s32 s25, s8  }
0xe: {  	[tilespmem:s6], [sflag:$0x5] =	stream.linear.gather [hbm4b:s8+s2], $0x680, $0x38;
	[tilespmem:$0xDD00] =	vst v63  }
0xf: {  	_ =	swait.ge [sflag:s4], $0x680  }
0x10: {  	[sflag:s4] =	ssyncset.done $0x0  }
0x11: {  	s9 =	simm.s32 $0x7500;
	s10 =	simm.s32 $0x1;
	[sflag:s4] =	ssyncadd.s32 $0xFFFFF980  }
0x12: {  	[tilespmem:s9], [sflag:$0x2] =	stream.indirect.gather [hbm4b:s5+s6], $0x10, s6, s6, $0xb8;
	[tilespmem:$0xDD00] =	vst v63  }
0x13: {  	s11 =	smul.u32 $0x6800, s11;
	_ =	swait.ge [sflag:s10], $0x6800  }
0x14: {  	s28 =	sadd.s32 $0xEC00, s12;
	[sflag:s10] =	ssyncset.done $0x0  }
0x15: {  	s12 =	simm.s32 $0x3;
	s11 =	sadd.s32 s28, s11;
	[sflag:s10] =	ssyncadd.s32 $0xFFFF9800  }
0x16: {  	[hbm4b:s11+s2] =	stream.linear.scatter [tilespmem:s7], [sflag:$0x3], $0x6800, $0x38;
	[tilespmem:$0xDD00] =	vst v63  }
0x17: {  	_ =	swait.ge [sflag:s12], $0x6800  }
0x18: {  	[sflag:s12] =	ssyncset.done $0x0  }
0x19: {  	s13 =	sadd.s32 $0x1A0, s3;
	[sflag:s12] =	ssyncadd.s32 $0xFFFF9800  }
0x1a: {  	[tilespmem:s2], [sflag:$0x5] =	stream.linear.gather [hbm4b:s13+s2], $0x680, $0x38;
	[tilespmem:$0xDD00] =	vst v63  }
0x1b: {  	_ =	swait.ge [sflag:s4], $0x680  }
0x1c: {  	[sflag:s4] =	ssyncset.done $0x0  }
0x1d: {  	s14 =	simm.s32 $0x2;
	[sflag:s4] =	ssyncadd.s32 $0xFFFFF980  }
0x1e: {  	[tilespmem:s7], [sflag:$0x1] =	stream.indirect.gather [hbm4b:s5+s6], $0x10, s2, s6, $0xb8;
	[tilespmem:$0xDD00] =	vst v63  }
0x1f: {  	_ =	swait.ge [sflag:s14], $0x6800  }
0x20: {  	s15 =	sshll.u32 s15, $0x1;
	[sflag:s14] =	ssyncset.done $0x0  }
0x21: {  	s16 =	sadd.s32 s28, s15;
	s15 =	simm.s32 $0x4;
	[sflag:s14] =	ssyncadd.s32 $0xFFFF9800  }
0x22: {  	[hbm4b:s16+s2] =	stream.linear.scatter [tilespmem:s9], [sflag:$0x4], $0x6800, $0x38;
	[tilespmem:$0xDD00] =	vst v63  }
0x23: {  	s20 =	sadd.s32 $0x1380, s26;
	_ =	swait.ge [sflag:s15], $0x6800  }
0x24: {  	s17 =	sshrl.u32 s20, $0x3;
	[sflag:s15] =	ssyncset.done $0x0  }
0x25: {  	s17 =	sadd.s32 s25, s17;
	[sflag:s15] =	ssyncadd.s32 $0xFFFF9800  }
0x26: {  	[tilespmem:s6], [sflag:$0x5] =	stream.linear.gather [hbm4b:s17+s2], $0x680, $0x38;
	[tilespmem:$0xDD00] =	vst v63  }
0x27: {  	_ =	swait.ge [sflag:s4], $0x680  }
0x28: {  	[sflag:s4] =	ssyncset.done $0x0  }
0x29: {  	[sflag:s4] =	ssyncadd.s32 $0xFFFFF980  }
0x2a: {  	[tilespmem:s9], [sflag:$0x2] =	stream.indirect.gather [hbm4b:s5+s6], $0x10, s6, s6, $0xb8;
	[tilespmem:$0xDD00] =	vst v63  }
0x2b: {  	_ =	swait.ge [sflag:s10], $0x6800  }
0x2c: {  	[sflag:s10] =	ssyncset.done $0x0  }
0x2d: {  	s18 =	sadd.s32 $0x1A00, s11;
	[sflag:s10] =	ssyncadd.s32 $0xFFFF9800  }
0x2e: {  	[hbm4b:s18+s2] =	stream.linear.scatter [tilespmem:s7], [sflag:$0x3], $0x6800, $0x38;
	[tilespmem:$0xDD00] =	vst v63  }
0x2f: {  	_ =	swait.ge [sflag:s12], $0x6800  }
0x30: {  	[sflag:s12] =	ssyncset.done $0x0  }
0x31: {  	s19 =	sadd.s32 $0x340, s3;
	[sflag:s12] =	ssyncadd.s32 $0xFFFF9800  }
0x32: {  	[tilespmem:s2], [sflag:$0x5] =	stream.linear.gather [hbm4b:s19+s2], $0x680, $0x38;
	[tilespmem:$0xDD00] =	vst v63  }
0x33: {  	_ =	swait.ge [sflag:s4], $0x680  }
0x34: {  	[sflag:s4] =	ssyncset.done $0x0  }
0x35: {  	[sflag:s4] =	ssyncadd.s32 $0xFFFFF980  }
0x36: {  	[tilespmem:s7], [sflag:$0x1] =	stream.indirect.gather [hbm4b:s5+s6], $0x10, s2, s6, $0xb8;
	[tilespmem:$0xDD00] =	vst v63  }
0x37: {  	_ =	swait.ge [sflag:s14], $0x6800  }
0x38: {  	s20 =	sshll.u32 s20, $0x1;
	[sflag:s14] =	ssyncset.done $0x0  }
0x39: {  	s20 =	sadd.s32 s28, s20;
	[sflag:s14] =	ssyncadd.s32 $0xFFFF9800  }
0x3a: {  	[hbm4b:s20+s2] =	stream.linear.scatter [tilespmem:s9], [sflag:$0x4], $0x6800, $0x38;
	[tilespmem:$0xDD00] =	vst v63  }
0x3b: {  	s24 =	sadd.s32 $0x2080, s26;
	_ =	swait.ge [sflag:s15], $0x6800  }
0x3c: {  	s21 =	sshrl.u32 s24, $0x3;
	[sflag:s15] =	ssyncset.done $0x0  }
0x3d: {  	s21 =	sadd.s32 s25, s21;
	[sflag:s15] =	ssyncadd.s32 $0xFFFF9800  }
0x3e: {  	[tilespmem:s6], [sflag:$0x5] =	stream.linear.gather [hbm4b:s21+s2], $0x680, $0x38;
	[tilespmem:$0xDD00] =	vst v63  }
0x3f: {  	_ =	swait.ge [sflag:s4], $0x680  }
0x40: {  	[sflag:s4] =	ssyncset.done $0x0  }
0x41: {  	[sflag:s4] =	ssyncadd.s32 $0xFFFFF980  }
0x42: {  	[tilespmem:s9], [sflag:$0x2] =	stream.indirect.gather [hbm4b:s5+s6], $0x10, s6, s6, $0xb8;
	[tilespmem:$0xDD00] =	vst v63  }
0x43: {  	_ =	swait.ge [sflag:s10], $0x6800  }
0x44: {  	[sflag:s10] =	ssyncset.done $0x0  }
0x45: {  	s22 =	sadd.s32 $0x3400, s11;
	[sflag:s10] =	ssyncadd.s32 $0xFFFF9800  }
0x46: {  	[hbm4b:s22+s2] =	stream.linear.scatter [tilespmem:s7], [sflag:$0x3], $0x6800, $0x38;
	[tilespmem:$0xDD00] =	vst v63  }
0x47: {  	_ =	swait.ge [sflag:s12], $0x6800  }
0x48: {  	[sflag:s12] =	ssyncset.done $0x0  }
0x49: {  	s23 =	sadd.s32 $0x4E0, s3;
	[sflag:s12] =	ssyncadd.s32 $0xFFFF9800  }
0x4a: {  	[tilespmem:s2], [sflag:$0x5] =	stream.linear.gather [hbm4b:s23+s2], $0x680, $0x38;
	[tilespmem:$0xDD00] =	vst v63  }
0x4b: {  	_ =	swait.ge [sflag:s4], $0x680  }
0x4c: {  	[sflag:s4] =	ssyncset.done $0x0  }
0x4d: {  	[sflag:s4] =	ssyncadd.s32 $0xFFFFF980  }
0x4e: {  	[tilespmem:s7], [sflag:$0x1] =	stream.indirect.gather [hbm4b:s5+s6], $0x10, s2, s6, $0xb8;
	[tilespmem:$0xDD00] =	vst v63  }
0x4f: {  	_ =	swait.ge [sflag:s14], $0x6800  }
0x50: {  	s24 =	sshll.u32 s24, $0x1;
	[sflag:s14] =	ssyncset.done $0x0  }
0x51: {  	s24 =	sadd.s32 s28, s24;
	[sflag:s14] =	ssyncadd.s32 $0xFFFF9800  }
0x52: {  	[hbm4b:s24+s2] =	stream.linear.scatter [tilespmem:s9], [sflag:$0x4], $0x6800, $0x38;
	[tilespmem:$0xDD00] =	vst v63  }
0x53: {  	s30 =	sadd.s32 $0x2D80, s26;
	_ =	swait.ge [sflag:s15], $0x6800  }
0x54: {  	s26 =	sshrl.u32 s30, $0x3;
	[sflag:s15] =	ssyncset.done $0x0  }
0x55: {  	s25 =	sadd.s32 s25, s26;
	[sflag:s15] =	ssyncadd.s32 $0xFFFF9800  }
0x56: {  	[tilespmem:s6], [sflag:$0x5] =	stream.linear.gather [hbm4b:s25+s2], $0x680, $0x38;
	[tilespmem:$0xDD00] =	vst v63  }
0x57: {  	_ =	swait.ge [sflag:s4], $0x680  }
0x58: {  	[sflag:s4] =	ssyncset.done $0x0  }
0x59: {  	[sflag:s4] =	ssyncadd.s32 $0xFFFFF980  }
0x5a: {  	[tilespmem:s9], [sflag:$0x2] =	stream.indirect.gather [hbm4b:s5+s6], $0x10, s6, s6, $0xb8;
	[tilespmem:$0xDD00] =	vst v63  }
0x5b: {  	_ =	swait.ge [sflag:s10], $0x6800  }
0x5c: {  	s29 =	ssub.s32 $0x2, s29;
	[sflag:s10] =	ssyncset.done $0x0  }
0x5d: {  	s31 =	sshrl.u32 s29, $0x1;
	s26 =	sadd.s32 $0x4E00, s11;
	[sflag:s10] =	ssyncadd.s32 $0xFFFF9800  }
0x5e: {  	[hbm4b:s26+s2] =	stream.linear.scatter [tilespmem:s7], [sflag:$0x3], $0x6800, $0x38;
	[tilespmem:$0xDD00] =	vst v63  }
0x5f: {  	s29 =	ssub.s32 s29, s31;
	_ =	swait.ge [sflag:s14], $0x6800  }
0x60: {  	s29 =	smax.u32 s29, $0x1;
	s30 =	sshll.u32 s30, $0x1;
	[sflag:s14] =	ssyncset.done $0x0  }
0x61: {  	p0 =	sne.s32 s29, $0x1;
	s28 =	sadd.s32 s28, s30;
	[sflag:s14] =	ssyncadd.s32 $0xFFFF9800  }
0x62: {  	[hbm4b:s28+s2] =	stream.linear.scatter [tilespmem:s9], [sflag:$0x4], $0x6800, $0x38;
	[tilespmem:$0xDD00] =	vst v63  }
.Ltmp0:
0x63: {  	_ =	swait.ge [sflag:s12], $0x6800;
	(pc) =	sbr.rel @!p0 .LBB2_2-.Ltmp0, $4  }
0x64: {  	[sflag:s12] =	ssyncset.done $0x0  }
0x65: {  	[sflag:s12] =	ssyncadd.s32 $0xFFFF9800  }
0x66: {  	_ =	swait.ge [sflag:s15], $0x6800  }
0x67: {  	s29 =	sadd.s32 $0xFFFFFFFF, s29;
	[sflag:s15] =	ssyncset.done $0x0  }
.LBB2_1:
0x68: {  	p0 =	sne.s32 s29, $0x1;
	s29 =	sadd.s32 $0xFFFFFFFF, s29;
	[sflag:s15] =	ssyncadd.s32 $0xFFFF9800  }
0x69: {  	[tilespmem:s2], [sflag:$0x5] =	stream.linear.gather [hbm4b:s3+s2], $0x680, $0x38;
	[tilespmem:$0xDD00] =	vst v63  }
0x6a: {  	_ =	swait.ge [sflag:s4], $0x680  }
0x6b: {  	[sflag:s4] =	ssyncset.done $0x0  }
0x6c: {  	[sflag:s4] =	ssyncadd.s32 $0xFFFFF980  }
0x6d: {  	[tilespmem:s7], [sflag:$0x1] =	stream.indirect.gather [hbm4b:s5+s6], $0x10, s2, s6, $0xb8;
	[tilespmem:$0xDD00] =	vst v63  }
0x6e: {  	_ = 	snop  }
0x6f: {  	[tilespmem:s6], [sflag:$0x5] =	stream.linear.gather [hbm4b:s8+s2], $0x680, $0x38;
	[tilespmem:$0xDD00] =	vst v63  }
0x70: {  	_ =	swait.ge [sflag:s4], $0x680  }
0x71: {  	[sflag:s4] =	ssyncset.done $0x0  }
0x72: {  	[sflag:s4] =	ssyncadd.s32 $0xFFFFF980  }
0x73: {  	[tilespmem:s9], [sflag:$0x2] =	stream.indirect.gather [hbm4b:s5+s6], $0x10, s6, s6, $0xb8;
	[tilespmem:$0xDD00] =	vst v63  }
0x74: {  	_ =	swait.ge [sflag:s10], $0x6800  }
0x75: {  	[sflag:s10] =	ssyncset.done $0x0  }
0x76: {  	[sflag:s10] =	ssyncadd.s32 $0xFFFF9800  }
0x77: {  	[hbm4b:s11+s2] =	stream.linear.scatter [tilespmem:s7], [sflag:$0x3], $0x6800, $0x38;
	[tilespmem:$0xDD00] =	vst v63  }
0x78: {  	_ =	swait.ge [sflag:s12], $0x6800  }
0x79: {  	[sflag:s12] =	ssyncset.done $0x0  }
0x7a: {  	[sflag:s12] =	ssyncadd.s32 $0xFFFF9800  }
0x7b: {  	[tilespmem:s2], [sflag:$0x5] =	stream.linear.gather [hbm4b:s13+s2], $0x680, $0x38;
	[tilespmem:$0xDD00] =	vst v63  }
0x7c: {  	_ =	swait.ge [sflag:s4], $0x680  }
0x7d: {  	[sflag:s4] =	ssyncset.done $0x0  }
0x7e: {  	[sflag:s4] =	ssyncadd.s32 $0xFFFFF980  }
0x7f: {  	[tilespmem:s7], [sflag:$0x1] =	stream.indirect.gather [hbm4b:s5+s6], $0x10, s2, s6, $0xb8;
	[tilespmem:$0xDD00] =	vst v63  }
0x80: {  	_ =	swait.ge [sflag:s14], $0x6800  }
0x81: {  	[sflag:s14] =	ssyncset.done $0x0  }
0x82: {  	[sflag:s14] =	ssyncadd.s32 $0xFFFF9800  }
0x83: {  	[hbm4b:s16+s2] =	stream.linear.scatter [tilespmem:s9], [sflag:$0x4], $0x6800, $0x38;
	[tilespmem:$0xDD00] =	vst v63  }
0x84: {  	_ =	swait.ge [sflag:s15], $0x6800  }
0x85: {  	[sflag:s15] =	ssyncset.done $0x0  }
0x86: {  	[sflag:s15] =	ssyncadd.s32 $0xFFFF9800  }
0x87: {  	[tilespmem:s6], [sflag:$0x5] =	stream.linear.gather [hbm4b:s17+s2], $0x680, $0x38;
	[tilespmem:$0xDD00] =	vst v63  }
0x88: {  	_ =	swait.ge [sflag:s4], $0x680  }
0x89: {  	[sflag:s4] =	ssyncset.done $0x0  }
0x8a: {  	[sflag:s4] =	ssyncadd.s32 $0xFFFFF980  }
0x8b: {  	[tilespmem:s9], [sflag:$0x2] =	stream.indirect.gather [hbm4b:s5+s6], $0x10, s6, s6, $0xb8;
	[tilespmem:$0xDD00] =	vst v63  }
0x8c: {  	_ =	swait.ge [sflag:s10], $0x6800  }
0x8d: {  	[sflag:s10] =	ssyncset.done $0x0  }
0x8e: {  	[sflag:s10] =	ssyncadd.s32 $0xFFFF9800  }
0x8f: {  	[hbm4b:s18+s2] =	stream.linear.scatter [tilespmem:s7], [sflag:$0x3], $0x6800, $0x38;
	[tilespmem:$0xDD00] =	vst v63  }
0x90: {  	_ =	swait.ge [sflag:s12], $0x6800  }
0x91: {  	[sflag:s12] =	ssyncset.done $0x0  }
0x92: {  	[sflag:s12] =	ssyncadd.s32 $0xFFFF9800  }
0x93: {  	[tilespmem:s2], [sflag:$0x5] =	stream.linear.gather [hbm4b:s19+s2], $0x680, $0x38;
	[tilespmem:$0xDD00] =	vst v63  }
0x94: {  	_ =	swait.ge [sflag:s4], $0x680  }
0x95: {  	[sflag:s4] =	ssyncset.done $0x0  }
0x96: {  	[sflag:s4] =	ssyncadd.s32 $0xFFFFF980  }
0x97: {  	[tilespmem:s7], [sflag:$0x1] =	stream.indirect.gather [hbm4b:s5+s6], $0x10, s2, s6, $0xb8;
	[tilespmem:$0xDD00] =	vst v63  }
0x98: {  	_ =	swait.ge [sflag:s14], $0x6800  }
0x99: {  	[sflag:s14] =	ssyncset.done $0x0  }
0x9a: {  	[sflag:s14] =	ssyncadd.s32 $0xFFFF9800  }
0x9b: {  	[hbm4b:s20+s2] =	stream.linear.scatter [tilespmem:s9], [sflag:$0x4], $0x6800, $0x38;
	[tilespmem:$0xDD00] =	vst v63  }
0x9c: {  	_ =	swait.ge [sflag:s15], $0x6800  }
0x9d: {  	[sflag:s15] =	ssyncset.done $0x0  }
0x9e: {  	[sflag:s15] =	ssyncadd.s32 $0xFFFF9800  }
0x9f: {  	[tilespmem:s6], [sflag:$0x5] =	stream.linear.gather [hbm4b:s21+s2], $0x680, $0x38;
	[tilespmem:$0xDD00] =	vst v63  }
0xa0: {  	_ =	swait.ge [sflag:s4], $0x680  }
0xa1: {  	[sflag:s4] =	ssyncset.done $0x0  }
0xa2: {  	[sflag:s4] =	ssyncadd.s32 $0xFFFFF980  }
0xa3: {  	[tilespmem:s9], [sflag:$0x2] =	stream.indirect.gather [hbm4b:s5+s6], $0x10, s6, s6, $0xb8;
	[tilespmem:$0xDD00] =	vst v63  }
0xa4: {  	_ =	swait.ge [sflag:s10], $0x6800  }
0xa5: {  	[sflag:s10] =	ssyncset.done $0x0  }
0xa6: {  	[sflag:s10] =	ssyncadd.s32 $0xFFFF9800  }
0xa7: {  	[hbm4b:s22+s2] =	stream.linear.scatter [tilespmem:s7], [sflag:$0x3], $0x6800, $0x38;
	[tilespmem:$0xDD00] =	vst v63  }
0xa8: {  	_ =	swait.ge [sflag:s12], $0x6800  }
0xa9: {  	[sflag:s12] =	ssyncset.done $0x0  }
0xaa: {  	[sflag:s12] =	ssyncadd.s32 $0xFFFF9800  }
0xab: {  	[tilespmem:s2], [sflag:$0x5] =	stream.linear.gather [hbm4b:s23+s2], $0x680, $0x38;
	[tilespmem:$0xDD00] =	vst v63  }
0xac: {  	_ =	swait.ge [sflag:s4], $0x680  }
0xad: {  	[sflag:s4] =	ssyncset.done $0x0  }
0xae: {  	[sflag:s4] =	ssyncadd.s32 $0xFFFFF980  }
0xaf: {  	[tilespmem:s7], [sflag:$0x1] =	stream.indirect.gather [hbm4b:s5+s6], $0x10, s2, s6, $0xb8;
	[tilespmem:$0xDD00] =	vst v63  }
0xb0: {  	_ =	swait.ge [sflag:s14], $0x6800  }
0xb1: {  	[sflag:s14] =	ssyncset.done $0x0  }
0xb2: {  	[sflag:s14] =	ssyncadd.s32 $0xFFFF9800  }
0xb3: {  	[hbm4b:s24+s2] =	stream.linear.scatter [tilespmem:s9], [sflag:$0x4], $0x6800, $0x38;
	[tilespmem:$0xDD00] =	vst v63  }
0xb4: {  	_ =	swait.ge [sflag:s15], $0x6800  }
0xb5: {  	[sflag:s15] =	ssyncset.done $0x0  }
0xb6: {  	[sflag:s15] =	ssyncadd.s32 $0xFFFF9800  }
0xb7: {  	[tilespmem:s6], [sflag:$0x5] =	stream.linear.gather [hbm4b:s25+s2], $0x680, $0x38;
	[tilespmem:$0xDD00] =	vst v63  }
0xb8: {  	_ =	swait.ge [sflag:s4], $0x680  }
0xb9: {  	[sflag:s4] =	ssyncset.done $0x0  }
0xba: {  	[sflag:s4] =	ssyncadd.s32 $0xFFFFF980  }
0xbb: {  	[tilespmem:s9], [sflag:$0x2] =	stream.indirect.gather [hbm4b:s5+s6], $0x10, s6, s6, $0xb8;
	[tilespmem:$0xDD00] =	vst v63  }
0xbc: {  	_ =	swait.ge [sflag:s10], $0x6800  }
0xbd: {  	[sflag:s10] =	ssyncset.done $0x0  }
0xbe: {  	[sflag:s10] =	ssyncadd.s32 $0xFFFF9800  }
0xbf: {  	[hbm4b:s26+s2] =	stream.linear.scatter [tilespmem:s7], [sflag:$0x3], $0x6800, $0x38;
	[tilespmem:$0xDD00] =	vst v63  }
0xc0: {  	_ =	swait.ge [sflag:s14], $0x6800  }
0xc1: {  	[sflag:s14] =	ssyncset.done $0x0  }
0xc2: {  	[sflag:s14] =	ssyncadd.s32 $0xFFFF9800  }
0xc3: {  	[hbm4b:s28+s2] =	stream.linear.scatter [tilespmem:s9], [sflag:$0x4], $0x6800, $0x38;
	[tilespmem:$0xDD00] =	vst v63  }
.Ltmp1:
0xc4: {  	_ =	swait.ge [sflag:s12], $0x6800;
	(pc) =	sbr.rel @p0 .LBB2_1-.Ltmp1, $4  }
0xc5: {  	[sflag:s12] =	ssyncset.done $0x0  }
0xc6: {  	[sflag:s12] =	ssyncadd.s32 $0xFFFF9800  }
0xc7: {  	_ =	swait.ge [sflag:s15], $0x6800  }
0xc8: {  	[sflag:s15] =	ssyncset.done $0x0  }
.LBB2_2:
0xc9: {  	[sflag:s15] =	ssyncadd.s32 $0xFFFF9800  }
0xca: {  	_ =	sfence.sel $0x180000  }
0xcb: {  	[bflag:$0x0] =	sbarrier.arrive $0xFFFF  }
0xcc: {  	p0 =	sne.s32 s0, $0x0;
	_ =	strace $0x90000047  }
0xcd: {  	s0 =	sadd.s32 @!p0 $0x100000, s1;
	[bflag:$0x2] =	sbarrier.arrive $0xFFFF  }
0xce: {  	[sflag:s0] =	ssyncadd.tile.s32 @!p0 $0x1;
	_ =	shalt  }
.Lfunc_end2:
_tile_overlayer_lowered:
.L_overlay_start_2:
0xcf: {  	(tag) =	ssettag $0x2  }
0xd0: {  	s0 =	rddreg [dreg:$0x0];
	s2 =	stileid.u32  }
0xd1: {  	s1 =	rddreg [dreg:$0x1];
	p0 =	sne.s32 s2, $0x0  }
0xd2: {  	s3 =	rddreg [dreg:$0x2];
	[bflag:$0x3] =	sbarrier.arrive $0xFFFF;
	s2 =	simm.s32 @!p0 $0x1C05  }
0xd3: {  	[timem:s3], [sflag:s2] =	dma.local @!p0 [hbm:s0], s1  }
0xd4: {  	s0 =	simm.s32 @!p0 $0x5  }
0xd5: {  	_ =	swait.ge @!p0 [sflag:s0], s1  }
0xd6: {  	s1 =	ssub.s32 @!p0 $0x0, s1;
	[sflag:s0] =	ssyncset.done @!p0 $0x0  }
0xd7: {  	[sflag:s0] =	ssyncadd.s32 @!p0 s1  }
0xd8: {  	[bflag:$0x3] =	sbarrier.arrive $0xFFFF  }
0xd9: {  	_ =	shalt  }

// kernel: kernel.8.cloned.1.call-start
scs
__scs_entry_jumppad:
0x0: {  	(pc) =	sbr.rel $0x88, $3  }
0x1: {  	(tag) =	ssettag $0x0;
	lr =	simm.s32 $0x1  }
0x2: {  	[smem:$0x3F93] =	sst lr;
	_ =	strace $0xD0000000  }
0x3: {  	_ = 	snop  }
0x4: {  	_ = 	snop  }
0x5: {  	_ = 	snop  }
0x6: {  	_ = 	snop  }
0x7: {  	_ = 	snop  }
__scs_overlays_trampoline_lowered:
0x8: {  	[smem:$0x3FA2] =	sst s0  }
0x9: {  	[smem:$0x3FA3] =	sst s1  }
0xa: {  	[smem:$0x3FA4] =	sst s2  }
0xb: {  	[smem:$0x3FA5] =	sst s3  }
0xc: {  	[smem:$0x3FA6] =	sst s4  }
0xd: {  	[smem:$0x3FA7] =	sst s5  }
0xe: {  	[smem:$0x3FA8] =	sst s6  }
0xf: {  	[smem:$0x3FA9] =	sst s7  }
0x10: {  	[smem:$0x3FAA] =	sst s8  }
0x11: {  	[smem:$0x3FAB] =	sst s9;
	s0 =	simm.s32 @!p0 $0x0  }
0x12: {  	s1 =	sld [smem:$0x3F91];
	s0 =	simm.s32 @p0 $0x1  }
0x13: {  	[smem:$0x3FAC] =	sst s0;
	s0 =	simm.s32 @!p1 $0x0  }
0x14: {  	s2 =	sld [smem:$0x3F90];
	s0 =	simm.s32 @p1 $0x1  }
0x15: {  	[smem:$0x3FAD] =	sst s0;
	s0 =	simm.s32 @!p2 $0x0  }
0x16: {  	s3 =	sld [smem:$0x3FDB];
	s0 =	simm.s32 @p2 $0x1  }
0x17: {  	s4 =	simm.s32 $0x1BF5;
	[smem:$0x3FAF] =	sst s0  }
0x18: {  	s0 =	sld [smem:$0x3F92];
	_ =	swait.ge [sflag:s4], $0x0  }
0x19: {  	s7 =	sld [smem:$0x3F93]  }
0x1a: {  	s8 =	sadd.s32 $0xFFFFE003, lr  }
0x1b: {  	s9 =	sadd.s32 $0xFFFFFEF7, lr;
	s5 =	simm.s32 $0xFFFFFFFF;
	p2 =	slt.u32 s8, $0xFFFFF086  }
0x1c: {  	p1 =	slt.u32 s9, $0xF7A;
	s5 =	simm.s32 @!p2 $0x0  }
0x1d: {  	s5 =	simm.s32 @p1 $0x1;
	p0 =	seq.s32 s7, s2  }
0x1e: {  	s7 =	smul.u32 @!p0 $0xF7A, s2;
	p2 =	seq.s32 @!p0 s5, $0x0  }
0x1f: {  	s9 =	smul.u32 $0xF7A, s1;
	s8 =	simm.s32 @!p0 $0x1BF5;
	p2 =	por !p2, p0  }
0x20: {  	[sflag:s8] =	ssyncset.s32 @!p0 $0xFFFFF086;
	s6 =	sadd.s32 @!p0 s3, s7;
	s7 =	simm.s32 @!p0 $0x108  }
0x21: {  	s3 =	sadd.s32 s3, s9;
	s6 =	sadd.s32 @!p0 $0x88, s6;
	s7 =	simm.s32 @p2 $0x1082  }
0x22: {  	[simem:s7], [sflag:s8] =	dma.local @!p0 [hbm:s6], $0xF7A  }
0x23: {  	s9 =	sor.u32 $0xD0000000, s2;
	s6 =	simm.s32 $0x108;
	_ =	swait.ge @!p0 [sflag:s8], $0x0  }
0x24: {  	s3 =	sadd.s32 $0x88, s3;
	s6 =	simm.s32 @!p1 $0x1082;
	[sflag:s4] =	ssyncset.s32 $0xFFFFF086  }
0x25: {  	[simem:s6], [sflag:s4] =	dma.local [hbm:s3], $0xF7A  }
0x26: {  	[smem:$0x3F93] =	sst s1;
	(tag) =	ssettag s2;
	_ =	strace s9  }
0x27: {  	s1 =	sld [smem:$0x3FA3]  }
0x28: {  	s2 =	sld [smem:$0x3FA4]  }
0x29: {  	s4 =	sld [smem:$0x3FA6]  }
0x2a: {  	p0 =	seq.s32 s5, $0x0;
	s5 =	sld [smem:$0x3FA7]  }
0x2b: {  	s6 =	sld [smem:$0x3FA8]  }
0x2c: {  	s7 =	sld [smem:$0x3FA9]  }
0x2d: {  	s3 =	simm.s32 $0x108;
	s8 =	sld [smem:$0x3FAA]  }
0x2e: {  	s3 =	simm.s32 @!p0 $0x1082;
	s9 =	sld [smem:$0x3FAB]  }
0x2f: {  	lr =	sadd.s32 s0, s3;
	s0 =	sld [smem:$0x3FA2]  }
0x30: {  	s3 =	sld [smem:$0x3FA5]  }
0x31: {  	[smem:$0x3FAE] =	sst s10  }
0x32: {  	s10 =	sld [smem:$0x3FAC];
	_ =	sdelay $0x3  }
0x33: {  	p0 =	seq.s32 s10, $0x1;
	s10 =	sld [smem:$0x3FAE];
	_ =	sdelay $0x3  }
0x34: {  	[smem:$0x3FAE] =	sst s10  }
0x35: {  	s10 =	sld [smem:$0x3FAD];
	_ =	sdelay $0x3  }
0x36: {  	p1 =	seq.s32 s10, $0x1;
	s10 =	sld [smem:$0x3FAE];
	_ =	sdelay $0x3  }
0x37: {  	[smem:$0x3FAE] =	sst s10  }
0x38: {  	s10 =	sld [smem:$0x3FAF]  }
0x39: {  	_ = 	snop;
	(pc) =	sbr.ind lr, $3  }
0x3a: {  	_ = 	snop  }
0x3b: {  	_ = 	snop  }
0x3c: {  	p2 =	seq.s32 s10, $0x1;
	s10 =	sld [smem:$0x3FAE]  }
0x3d: {  	_ =	shalt  }
0x3e: {  	_ =	shalt  }
0x3f: {  	_ =	shalt  }
0x40: {  	_ =	shalt  }
0x41: {  	_ =	shalt  }
0x42: {  	_ =	shalt  }
0x43: {  	_ =	shalt  }
0x44: {  	_ =	shalt  }
0x45: {  	_ =	shalt  }
0x46: {  	_ =	shalt  }
0x47: {  	_ =	shalt  }
0x48: {  	_ =	shalt  }
0x49: {  	_ =	shalt  }
0x4a: {  	_ =	shalt  }
0x4b: {  	_ =	shalt  }
0x4c: {  	_ =	shalt  }
0x4d: {  	_ =	shalt  }
0x4e: {  	_ =	shalt  }
0x4f: {  	_ =	shalt  }
0x50: {  	_ =	shalt  }
0x51: {  	_ =	shalt  }
0x52: {  	_ =	shalt  }
0x53: {  	_ =	shalt  }
0x54: {  	_ =	shalt  }
0x55: {  	_ =	shalt  }
0x56: {  	_ =	shalt  }
0x57: {  	_ =	shalt  }
0x58: {  	_ =	shalt  }
0x59: {  	_ =	shalt  }
0x5a: {  	_ =	shalt  }
0x5b: {  	_ =	shalt  }
0x5c: {  	_ =	shalt  }
0x5d: {  	_ =	shalt  }
0x5e: {  	_ =	shalt  }
0x5f: {  	_ =	shalt  }
0x60: {  	_ =	shalt  }
0x61: {  	_ =	shalt  }
0x62: {  	_ =	shalt  }
0x63: {  	_ =	shalt  }
0x64: {  	_ =	shalt  }
0x65: {  	_ =	shalt  }
0x66: {  	_ =	shalt  }
0x67: {  	_ =	shalt  }
0x68: {  	_ =	shalt  }
0x69: {  	_ =	shalt  }
0x6a: {  	_ =	shalt  }
0x6b: {  	_ =	shalt  }
0x6c: {  	_ =	shalt  }
0x6d: {  	_ =	shalt  }
0x6e: {  	_ =	shalt  }
0x6f: {  	_ =	shalt  }
0x70: {  	_ =	shalt  }
0x71: {  	_ =	shalt  }
0x72: {  	_ =	shalt  }
0x73: {  	_ =	shalt  }
0x74: {  	_ =	shalt  }
0x75: {  	_ =	shalt  }
0x76: {  	_ =	shalt  }
0x77: {  	_ =	shalt  }
0x78: {  	_ =	shalt  }
0x79: {  	_ =	shalt  }
0x7a: {  	_ =	shalt  }
0x7b: {  	_ =	shalt  }
0x7c: {  	_ =	shalt  }
0x7d: {  	_ =	shalt  }
0x7e: {  	_ =	shalt  }
0x7f: {  	_ =	shalt  }
0x80: {  	_ =	shalt  }
0x81: {  	_ =	shalt  }
0x82: {  	_ =	shalt  }
0x83: {  	_ =	shalt  }
0x84: {  	_ =	shalt  }
0x85: {  	_ =	shalt  }
0x86: {  	_ =	shalt  }
0x87: {  	_ =	shalt  }
.Lfunc_end0:
.L_simem_size_0:
called_computation.1_lowered:
.L_overlay_start_0:
0x88: {  	s2 =	sld [smem:$0x3FD9]  }
0x89: {  	s3 =	sld [smem:$0x3FFE];
	_ =	sdelay $0x1  }
0x8a: {  	s1 =	srdreg.scid  }
0x8b: {  	s0 =	sand.u32 $0x1, s1  }
0x8c: {  	s17 =	sshll.u32 s0, $0xA;
	s2 =	sadd.s32 s3, s2  }
0x8d: {  	s2 =	sadd.s32 s2, s17  }
0x8e: {  	[smem:$0x3FBA] =	sst s2  }
0x8f: {  	_ = 	snop  }
0x90: {  	(tm) =	ssettm $0x1  }
0x91: {  	s18 =	sld [smem:$0x3FFB];
	_ =	sdelay $0x3  }
0x92: {  	_ =	strace s18  }
0x93: {  	s2 =	sld [smem:$0x3FFC];
	_ =	sdelay $0x3  }
0x94: {  	_ =	strace s2  }
0x95: {  	s2 =	sld [smem:$0x3FFD];
	_ =	sdelay $0x3  }
0x96: {  	_ =	strace s2  }
0x97: {  	_ =	strace $0x8FFFFFFF  }
0x98: {  	s19 =	sld [smem:$0x3FDB];
	_ =	sdelay $0x1  }
0x99: {  	s20 =	simm.s32 $_scs_section_size  }
0x9a: {  	s4 =	simm.s32 $_size__tile_overlayer_lowered;
	s5 =	simm.s32 $_tile_overlayer_lowered  }
0x9b: {  	s6 =	simm.s32 $0x1BFF;
	s21 =	sshll.u32 s5, $0x1;
	s3 =	sadd.s32 s20, s19  }
0x9c: {  	s22 =	simm.s32 $0x0;
	s4 =	sshll.u32 s4, $0x1;
	s5 =	sadd.s32 s21, s3  }
0x9d: {  	[timem:s22], [sflag:s6] =	dma.local [hbm:s5], s4  }
0x9e: {  	_ =	swait.ge [sflag:s6], s4  }
0x9f: {  	s4 =	ssub.s32 $0x0, s4;
	[sflag:s6] =	ssyncset.done $0x0  }
0xa0: {  	[sflag:s6] =	ssyncadd.s32 s4;
	_ =	sdelay $0x1  }
0xa1: {  	s23 =	simm.s32 $0x1B8B  }
0xa2: {  	_ =	swait.ge [sflag:s23], $0x1  }
0xa3: {  	[sflag:s23] =	ssyncset.done $0x0  }
0xa4: {  	[sflag:s23] =	ssyncadd.s32 $0xFFFFFFFF  }
0xa5: {  	s4 =	sld [smem:$0x0]  }
0xa6: {  	s5 =	sand.u32 $0xFFFFFFFE, s1  }
0xa7: {  	p0 =	sne.s32 s1, s5  }
0xa8: {  	s5 =	sshll.u32 @p0 s5, $0xE  }
0xa9: {  	s5 =	sadd.s32 @p0 $0x11B8D, s5;
	s6 =	sshll.u32 @p0 s4, $0x11  }
0xaa: {  	s5 =	sor.u32 @p0 s6, s5  }
0xab: {  	[sflag:s5] =	ssyncadd.remote.s32 @p0 $0x1;
	_ =	sdelay $0x1  }
0xac: {  	s5 =	simm.s32 @p0 $0x1B8D  }
0xad: {  	_ =	swait.eq @p0 [sflag:s5], $0x1  }
0xae: {  	[sflag:s5] =	ssyncadd.s32 @p0 $0xFFFFFFFF  }
0xaf: {  	s6 =	sshll.u32 @!p0 s1, $0xE  }
0xb0: {  	s6 =	sor.u32 @!p0 $0x4000, s6;
	s5 =	simm.s32 @!p0 $0x1B8D  }
0xb1: {  	s4 =	sshll.u32 @!p0 s4, $0x11;
	s6 =	sadd.s32 @!p0 $0x11B8D, s6;
	_ =	swait.eq @!p0 [sflag:s5], $0x1  }
0xb2: {  	s4 =	sor.u32 @!p0 s4, s6;
	[sflag:s5] =	ssyncadd.s32 @!p0 $0xFFFFFFFF  }
0xb3: {  	s25 =	simm.s32 $0x1B8E;
	s24 =	sld [smem:$0x3FFE];
	[sflag:s4] =	ssyncadd.remote.s32 @!p0 $0x1  }
0xb4: {  	s26 =	simm.s32 $execute0_lowered;
	[smem:$0x3FD2] =	sst s25  }
0xb5: {  	s5 =	sshll.u32 s26, $0x1;
	_ =	strace $0x80000049;
	[dreg:$0x1] =	wrdreg $0xFFFFFFFF  }
0xb6: {  	s28 =	simm.s32 $_size_execute0_lowered;
	s3 =	sadd.s32 s3, s5;
	[dreg:$0x0] =	wrdreg $0x0  }
0xb7: {  	s5 =	sshll.u32 s28, $0x1;
	[dreg:$0x2] =	wrdreg s3  }
0xb8: {  	[dreg:$0x3] =	wrdreg s5  }
0xb9: {  	[dreg:$0x4] =	wrdreg $0xC0  }
0xba: {  	_ =	task [dreg:s22], $0x5FFFF  }
0xbb: {  	[dreg:$0x1] =	wrdreg $0xFFFFFFFF  }
0xbc: {  	[dreg:$0x0] =	wrdreg $0x60  }
0xbd: {  	[dreg:$0x2] =	wrdreg s24  }
0xbe: {  	[dreg:$0x3] =	wrdreg $0xA  }
0xbf: {  	_ =	task.clear_ibuf [dreg:s22], $0x4FFFF;
	_ =	strace $0x90000049  }
0xc0: {  	s29 =	simm.s32 $0xA;
	_ =	strace $0x8000004B  }
0xc1: {  	_ =	swait.ge [sflag:s29], $0x1  }
0xc2: {  	[sflag:s29] =	ssyncadd.s32 $0xFFFFFFFF  }
0xc3: {  	_ =	strace $0x9000004B  }
0xc4: {  	_ =	sfence  }
0xc5: {  	s30 =	sld [smem:$0x0];
	_ =	sdelay $0x2  }
0xc6: {  	s31 =	sshll.u32 s1, $0xD;
	s1 =	sshrl.u32 s1, $0x2  }
0xc7: {  	s4 =	sand.u32 $0x4000, s31;
	s1 =	sadd.s32 s1, s30  }
0xc8: {  	s0 =	sor.u32 s4, s0;
	s1 =	sshll.u32 s1, $0x11  }
0xc9: {  	s0 =	sor.u32 s1, s0  }
0xca: {  	s0 =	sadd.s32 $0x8F2B, s0  }
0xcb: {  	[sflag:s0] =	ssyncadd.remote.s32 $0x1  }
0xcc: {  	_ =	sfence.sel $0xFFFF  }
0xcd: {  	[dreg:$0x0] =	wrdreg $0xFFFFFFFF;
	(pc) =	sbr.abs _section_cstart, $3  }
0xce: {  	[dreg:$0x1] =	wrdreg $0xFFFFFFFF  }
0xcf: {  	_ =	task.clear_ibuf [dreg:s22], $0x2FFFF;
	_ =	strace $0x9FFFFFFF  }
0xd0: {  	(tm) =	ssettm $0x7FFFFFFF  }
0xd1: {  	_ =	shalt  }
tec
execute0_lowered:
.L_overlay_start_1:
0x0: {  	(tag) =	ssettag $0x1  }
0x1: {  	s1 =	srdreg.scid;
	s0 =	stileid.u32  }
0x2: {  	s22 =	sand.u32 $0x1, s1;
	s30 =	sshll.u32 s0, $0x1  }
0x3: {  	s1 =	sor.u32 s22, s30  }
0x4: {  	s8 =	rddreg [dreg:$0x0];
	s2 =	simm.s32 $0x0;
	s3 =	smul.u32 $0x3400, s1  }
0x5: {  	[smem:$0x7FF] =	sst s2  }
0x6: {  	s21 =	sadd.s32 $0x1C00, s8;
	s1 =	rddreg [dreg:$0x1];
	s24 =	sshrl.u32 s3, $0x3  }
0x7: {  	_ =	strace $0x8000004A;
	s3 =	simm.s32 $0x2;
	s4 =	sadd.s32 s21, s24  }
0x8: {  	[tilespmem:s2], [sflag:$0x2] =	stream.linear.gather [hbm4b:s4+s2], $0x680, $0x38;
	[tilespmem:$0xD00] =	vst v63  }
0x9: {  	_ =	swait.ge [sflag:s3], $0x680  }
0xa: {  	s6 =	simm.s32 $0x680;
	[sflag:s3] =	ssyncset.done $0x0  }
0xb: {  	s7 =	simm.s32 $0x1;
	s5 =	sadd.s32 $0xDEC00, s8;
	[sflag:s3] =	ssyncadd.s32 $0xFFFFF980  }
0xc: {  	[tilespmem:s6], [sflag:$0x1] =	stream.indirect.gather [hbm4b:s5+s6], $0x1, s2, s6, $0xb8;
	[tilespmem:$0xD00] =	vst v63  }
0xd: {  	_ =	swait.ge [sflag:s7], $0x680  }
0xe: {  	s23 =	sadd.s32 $0x12E200, s8;
	[sflag:s7] =	ssyncset.done $0x0  }
0xf: {  	s8 =	sadd.s32 s23, s24;
	[sflag:s7] =	ssyncadd.s32 $0xFFFFF980  }
0x10: {  	[hbm4b:s8+s2] =	stream.linear.scatter [tilespmem:s6], [sflag:$0x2], $0x680, $0x38;
	[tilespmem:$0xD00] =	vst v63  }
0x11: {  	_ =	swait.ge [sflag:s3], $0x680  }
0x12: {  	s10 =	sadd.s32 $0xD0, s24;
	[sflag:s3] =	ssyncset.done $0x0  }
0x13: {  	s9 =	sadd.s32 s21, s10;
	[sflag:s3] =	ssyncadd.s32 $0xFFFFF980  }
0x14: {  	[tilespmem:s2], [sflag:$0x2] =	stream.linear.gather [hbm4b:s9+s2], $0x680, $0x38;
	[tilespmem:$0xD00] =	vst v63  }
0x15: {  	_ =	swait.ge [sflag:s3], $0x680  }
0x16: {  	[sflag:s3] =	ssyncset.done $0x0  }
0x17: {  	[sflag:s3] =	ssyncadd.s32 $0xFFFFF980  }
0x18: {  	[tilespmem:s6], [sflag:$0x1] =	stream.indirect.gather [hbm4b:s5+s6], $0x1, s2, s6, $0xb8;
	[tilespmem:$0xD00] =	vst v63  }
0x19: {  	_ =	swait.ge [sflag:s7], $0x680  }
0x1a: {  	[sflag:s7] =	ssyncset.done $0x0  }
0x1b: {  	s10 =	sadd.s32 s23, s10;
	[sflag:s7] =	ssyncadd.s32 $0xFFFFF980  }
0x1c: {  	[hbm4b:s10+s2] =	stream.linear.scatter [tilespmem:s6], [sflag:$0x2], $0x680, $0x38;
	[tilespmem:$0xD00] =	vst v63  }
0x1d: {  	_ =	swait.ge [sflag:s3], $0x680  }
0x1e: {  	s12 =	sadd.s32 $0x1A0, s24;
	[sflag:s3] =	ssyncset.done $0x0  }
0x1f: {  	s11 =	sadd.s32 s21, s12;
	[sflag:s3] =	ssyncadd.s32 $0xFFFFF980  }
0x20: {  	[tilespmem:s2], [sflag:$0x2] =	stream.linear.gather [hbm4b:s11+s2], $0x680, $0x38;
	[tilespmem:$0xD00] =	vst v63  }
0x21: {  	_ =	swait.ge [sflag:s3], $0x680  }
0x22: {  	[sflag:s3] =	ssyncset.done $0x0  }
0x23: {  	[sflag:s3] =	ssyncadd.s32 $0xFFFFF980  }
0x24: {  	[tilespmem:s6], [sflag:$0x1] =	stream.indirect.gather [hbm4b:s5+s6], $0x1, s2, s6, $0xb8;
	[tilespmem:$0xD00] =	vst v63  }
0x25: {  	_ =	swait.ge [sflag:s7], $0x680  }
0x26: {  	[sflag:s7] =	ssyncset.done $0x0  }
0x27: {  	s12 =	sadd.s32 s23, s12;
	[sflag:s7] =	ssyncadd.s32 $0xFFFFF980  }
0x28: {  	[hbm4b:s12+s2] =	stream.linear.scatter [tilespmem:s6], [sflag:$0x2], $0x680, $0x38;
	[tilespmem:$0xD00] =	vst v63  }
0x29: {  	_ =	swait.ge [sflag:s3], $0x680  }
0x2a: {  	s14 =	sadd.s32 $0x270, s24;
	[sflag:s3] =	ssyncset.done $0x0  }
0x2b: {  	s13 =	sadd.s32 s21, s14;
	[sflag:s3] =	ssyncadd.s32 $0xFFFFF980  }
0x2c: {  	[tilespmem:s2], [sflag:$0x2] =	stream.linear.gather [hbm4b:s13+s2], $0x680, $0x38;
	[tilespmem:$0xD00] =	vst v63  }
0x2d: {  	_ =	swait.ge [sflag:s3], $0x680  }
0x2e: {  	[sflag:s3] =	ssyncset.done $0x0  }
0x2f: {  	[sflag:s3] =	ssyncadd.s32 $0xFFFFF980  }
0x30: {  	[tilespmem:s6], [sflag:$0x1] =	stream.indirect.gather [hbm4b:s5+s6], $0x1, s2, s6, $0xb8;
	[tilespmem:$0xD00] =	vst v63  }
0x31: {  	_ =	swait.ge [sflag:s7], $0x680  }
0x32: {  	[sflag:s7] =	ssyncset.done $0x0  }
0x33: {  	s14 =	sadd.s32 s23, s14;
	[sflag:s7] =	ssyncadd.s32 $0xFFFFF980  }
0x34: {  	[hbm4b:s14+s2] =	stream.linear.scatter [tilespmem:s6], [sflag:$0x2], $0x680, $0x38;
	[tilespmem:$0xD00] =	vst v63  }
0x35: {  	_ =	swait.ge [sflag:s3], $0x680  }
0x36: {  	s16 =	sadd.s32 $0x340, s24;
	[sflag:s3] =	ssyncset.done $0x0  }
0x37: {  	s15 =	sadd.s32 s21, s16;
	[sflag:s3] =	ssyncadd.s32 $0xFFFFF980  }
0x38: {  	[tilespmem:s2], [sflag:$0x2] =	stream.linear.gather [hbm4b:s15+s2], $0x680, $0x38;
	[tilespmem:$0xD00] =	vst v63  }
0x39: {  	_ =	swait.ge [sflag:s3], $0x680  }
0x3a: {  	[sflag:s3] =	ssyncset.done $0x0  }
0x3b: {  	[sflag:s3] =	ssyncadd.s32 $0xFFFFF980  }
0x3c: {  	[tilespmem:s6], [sflag:$0x1] =	stream.indirect.gather [hbm4b:s5+s6], $0x1, s2, s6, $0xb8;
	[tilespmem:$0xD00] =	vst v63  }
0x3d: {  	_ =	swait.ge [sflag:s7], $0x680  }
0x3e: {  	[sflag:s7] =	ssyncset.done $0x0  }
0x3f: {  	s16 =	sadd.s32 s23, s16;
	[sflag:s7] =	ssyncadd.s32 $0xFFFFF980  }
0x40: {  	[hbm4b:s16+s2] =	stream.linear.scatter [tilespmem:s6], [sflag:$0x2], $0x680, $0x38;
	[tilespmem:$0xD00] =	vst v63  }
0x41: {  	_ =	swait.ge [sflag:s3], $0x680  }
0x42: {  	s18 =	sadd.s32 $0x410, s24;
	[sflag:s3] =	ssyncset.done $0x0  }
0x43: {  	s17 =	sadd.s32 s21, s18;
	[sflag:s3] =	ssyncadd.s32 $0xFFFFF980  }
0x44: {  	[tilespmem:s2], [sflag:$0x2] =	stream.linear.gather [hbm4b:s17+s2], $0x680, $0x38;
	[tilespmem:$0xD00] =	vst v63  }
0x45: {  	_ =	swait.ge [sflag:s3], $0x680  }
0x46: {  	[sflag:s3] =	ssyncset.done $0x0  }
0x47: {  	[sflag:s3] =	ssyncadd.s32 $0xFFFFF980  }
0x48: {  	[tilespmem:s6], [sflag:$0x1] =	stream.indirect.gather [hbm4b:s5+s6], $0x1, s2, s6, $0xb8;
	[tilespmem:$0xD00] =	vst v63  }
0x49: {  	_ =	swait.ge [sflag:s7], $0x680  }
0x4a: {  	[sflag:s7] =	ssyncset.done $0x0  }
0x4b: {  	s18 =	sadd.s32 s23, s18;
	[sflag:s7] =	ssyncadd.s32 $0xFFFFF980  }
0x4c: {  	[hbm4b:s18+s2] =	stream.linear.scatter [tilespmem:s6], [sflag:$0x2], $0x680, $0x38;
	[tilespmem:$0xD00] =	vst v63  }
0x4d: {  	_ =	swait.ge [sflag:s3], $0x680  }
0x4e: {  	s20 =	sadd.s32 $0x4E0, s24;
	[sflag:s3] =	ssyncset.done $0x0  }
0x4f: {  	s19 =	sadd.s32 s21, s20;
	[sflag:s3] =	ssyncadd.s32 $0xFFFFF980  }
0x50: {  	[tilespmem:s2], [sflag:$0x2] =	stream.linear.gather [hbm4b:s19+s2], $0x680, $0x38;
	[tilespmem:$0xD00] =	vst v63  }
0x51: {  	_ =	swait.ge [sflag:s3], $0x680  }
0x52: {  	[sflag:s3] =	ssyncset.done $0x0  }
0x53: {  	[sflag:s3] =	ssyncadd.s32 $0xFFFFF980  }
0x54: {  	[tilespmem:s6], [sflag:$0x1] =	stream.indirect.gather [hbm4b:s5+s6], $0x1, s2, s6, $0xb8;
	[tilespmem:$0xD00] =	vst v63  }
0x55: {  	_ =	swait.ge [sflag:s7], $0x680  }
0x56: {  	[sflag:s7] =	ssyncset.done $0x0  }
0x57: {  	s20 =	sadd.s32 s23, s20;
	[sflag:s7] =	ssyncadd.s32 $0xFFFFF980  }
0x58: {  	[hbm4b:s20+s2] =	stream.linear.scatter [tilespmem:s6], [sflag:$0x2], $0x680, $0x38;
	[tilespmem:$0xD00] =	vst v63  }
0x59: {  	_ =	swait.ge [sflag:s3], $0x680  }
0x5a: {  	s24 =	sadd.s32 $0x5B0, s24;
	[sflag:s3] =	ssyncset.done $0x0  }
0x5b: {  	s22 =	ssub.s32 $0x2, s22;
	s21 =	sadd.s32 s21, s24;
	[sflag:s3] =	ssyncadd.s32 $0xFFFFF980  }
0x5c: {  	[tilespmem:s2], [sflag:$0x2] =	stream.linear.gather [hbm4b:s21+s2], $0x680, $0x38;
	[tilespmem:$0xD00] =	vst v63  }
0x5d: {  	s25 =	sshrl.u32 s22, $0x1;
	_ =	swait.ge [sflag:s3], $0x680  }
0x5e: {  	s25 =	ssub.s32 s22, s25;
	[sflag:s3] =	ssyncset.done $0x0  }
0x5f: {  	s31 =	smax.u32 s25, $0x1;
	[sflag:s3] =	ssyncadd.s32 $0xFFFFF980  }
0x60: {  	[tilespmem:s6], [sflag:$0x1] =	stream.indirect.gather [hbm4b:s5+s6], $0x1, s2, s6, $0xb8;
	[tilespmem:$0xD00] =	vst v63  }
0x61: {  	p0 =	sne.s32 s31, $0x1;
	_ =	swait.ge [sflag:s7], $0x680  }
.Ltmp0:
0x62: {  	[sflag:s7] =	ssyncset.done $0x0;
	(pc) =	sbr.rel @!p0 .LBB2_2-.Ltmp0, $4  }
0x63: {  	s22 =	sadd.s32 s23, s24;
	[sflag:s7] =	ssyncadd.s32 $0xFFFFF980  }
0x64: {  	[hbm4b:s22+s2] =	stream.linear.scatter [tilespmem:s6], [sflag:$0x2], $0x680, $0x38;
	[tilespmem:$0xD00] =	vst v63  }
0x65: {  	_ =	swait.ge [sflag:s3], $0x680  }
0x66: {  	s23 =	sadd.s32 $0xFFFFFFFF, s31;
	[sflag:s3] =	ssyncset.done $0x0  }
.LBB2_1:
0x67: {  	p0 =	sne.s32 s23, $0x1;
	s23 =	sadd.s32 $0xFFFFFFFF, s23;
	[sflag:s3] =	ssyncadd.s32 $0xFFFFF980  }
0x68: {  	[tilespmem:s2], [sflag:$0x2] =	stream.linear.gather [hbm4b:s4+s2], $0x680, $0x38;
	[tilespmem:$0xD00] =	vst v63  }
0x69: {  	_ =	swait.ge [sflag:s3], $0x680  }
0x6a: {  	[sflag:s3] =	ssyncset.done $0x0  }
0x6b: {  	[sflag:s3] =	ssyncadd.s32 $0xFFFFF980  }
0x6c: {  	[tilespmem:s6], [sflag:$0x1] =	stream.indirect.gather [hbm4b:s5+s6], $0x1, s2, s6, $0xb8;
	[tilespmem:$0xD00] =	vst v63  }
0x6d: {  	_ =	swait.ge [sflag:s7], $0x680  }
0x6e: {  	[sflag:s7] =	ssyncset.done $0x0  }
0x6f: {  	[sflag:s7] =	ssyncadd.s32 $0xFFFFF980  }
0x70: {  	[hbm4b:s8+s2] =	stream.linear.scatter [tilespmem:s6], [sflag:$0x2], $0x680, $0x38;
	[tilespmem:$0xD00] =	vst v63  }
0x71: {  	_ =	swait.ge [sflag:s3], $0x680  }
0x72: {  	[sflag:s3] =	ssyncset.done $0x0  }
0x73: {  	[sflag:s3] =	ssyncadd.s32 $0xFFFFF980  }
0x74: {  	[tilespmem:s2], [sflag:$0x2] =	stream.linear.gather [hbm4b:s9+s2], $0x680, $0x38;
	[tilespmem:$0xD00] =	vst v63  }
0x75: {  	_ =	swait.ge [sflag:s3], $0x680  }
0x76: {  	[sflag:s3] =	ssyncset.done $0x0  }
0x77: {  	[sflag:s3] =	ssyncadd.s32 $0xFFFFF980  }
0x78: {  	[tilespmem:s6], [sflag:$0x1] =	stream.indirect.gather [hbm4b:s5+s6], $0x1, s2, s6, $0xb8;
	[tilespmem:$0xD00] =	vst v63  }
0x79: {  	_ =	swait.ge [sflag:s7], $0x680  }
0x7a: {  	[sflag:s7] =	ssyncset.done $0x0  }
0x7b: {  	[sflag:s7] =	ssyncadd.s32 $0xFFFFF980  }
0x7c: {  	[hbm4b:s10+s2] =	stream.linear.scatter [tilespmem:s6], [sflag:$0x2], $0x680, $0x38;
	[tilespmem:$0xD00] =	vst v63  }
0x7d: {  	_ =	swait.ge [sflag:s3], $0x680  }
0x7e: {  	[sflag:s3] =	ssyncset.done $0x0  }
0x7f: {  	[sflag:s3] =	ssyncadd.s32 $0xFFFFF980  }
0x80: {  	[tilespmem:s2], [sflag:$0x2] =	stream.linear.gather [hbm4b:s11+s2], $0x680, $0x38;
	[tilespmem:$0xD00] =	vst v63  }
0x81: {  	_ =	swait.ge [sflag:s3], $0x680  }
0x82: {  	[sflag:s3] =	ssyncset.done $0x0  }
0x83: {  	[sflag:s3] =	ssyncadd.s32 $0xFFFFF980  }
0x84: {  	[tilespmem:s6], [sflag:$0x1] =	stream.indirect.gather [hbm4b:s5+s6], $0x1, s2, s6, $0xb8;
	[tilespmem:$0xD00] =	vst v63  }
0x85: {  	_ =	swait.ge [sflag:s7], $0x680  }
0x86: {  	[sflag:s7] =	ssyncset.done $0x0  }
0x87: {  	[sflag:s7] =	ssyncadd.s32 $0xFFFFF980  }
0x88: {  	[hbm4b:s12+s2] =	stream.linear.scatter [tilespmem:s6], [sflag:$0x2], $0x680, $0x38;
	[tilespmem:$0xD00] =	vst v63  }
0x89: {  	_ =	swait.ge [sflag:s3], $0x680  }
0x8a: {  	[sflag:s3] =	ssyncset.done $0x0  }
0x8b: {  	[sflag:s3] =	ssyncadd.s32 $0xFFFFF980  }
0x8c: {  	[tilespmem:s2], [sflag:$0x2] =	stream.linear.gather [hbm4b:s13+s2], $0x680, $0x38;
	[tilespmem:$0xD00] =	vst v63  }
0x8d: {  	_ =	swait.ge [sflag:s3], $0x680  }
0x8e: {  	[sflag:s3] =	ssyncset.done $0x0  }
0x8f: {  	[sflag:s3] =	ssyncadd.s32 $0xFFFFF980  }
0x90: {  	[tilespmem:s6], [sflag:$0x1] =	stream.indirect.gather [hbm4b:s5+s6], $0x1, s2, s6, $0xb8;
	[tilespmem:$0xD00] =	vst v63  }
0x91: {  	_ =	swait.ge [sflag:s7], $0x680  }
0x92: {  	[sflag:s7] =	ssyncset.done $0x0  }
0x93: {  	[sflag:s7] =	ssyncadd.s32 $0xFFFFF980  }
0x94: {  	[hbm4b:s14+s2] =	stream.linear.scatter [tilespmem:s6], [sflag:$0x2], $0x680, $0x38;
	[tilespmem:$0xD00] =	vst v63  }
0x95: {  	_ =	swait.ge [sflag:s3], $0x680  }
0x96: {  	[sflag:s3] =	ssyncset.done $0x0  }
0x97: {  	[sflag:s3] =	ssyncadd.s32 $0xFFFFF980  }
0x98: {  	[tilespmem:s2], [sflag:$0x2] =	stream.linear.gather [hbm4b:s15+s2], $0x680, $0x38;
	[tilespmem:$0xD00] =	vst v63  }
0x99: {  	_ =	swait.ge [sflag:s3], $0x680  }
0x9a: {  	[sflag:s3] =	ssyncset.done $0x0  }
0x9b: {  	[sflag:s3] =	ssyncadd.s32 $0xFFFFF980  }
0x9c: {  	[tilespmem:s6], [sflag:$0x1] =	stream.indirect.gather [hbm4b:s5+s6], $0x1, s2, s6, $0xb8;
	[tilespmem:$0xD00] =	vst v63  }
0x9d: {  	_ =	swait.ge [sflag:s7], $0x680  }
0x9e: {  	[sflag:s7] =	ssyncset.done $0x0  }
0x9f: {  	[sflag:s7] =	ssyncadd.s32 $0xFFFFF980  }
0xa0: {  	[hbm4b:s16+s2] =	stream.linear.scatter [tilespmem:s6], [sflag:$0x2], $0x680, $0x38;
	[tilespmem:$0xD00] =	vst v63  }
0xa1: {  	_ =	swait.ge [sflag:s3], $0x680  }
0xa2: {  	[sflag:s3] =	ssyncset.done $0x0  }
0xa3: {  	[sflag:s3] =	ssyncadd.s32 $0xFFFFF980  }
0xa4: {  	[tilespmem:s2], [sflag:$0x2] =	stream.linear.gather [hbm4b:s17+s2], $0x680, $0x38;
	[tilespmem:$0xD00] =	vst v63  }
0xa5: {  	_ =	swait.ge [sflag:s3], $0x680  }
0xa6: {  	[sflag:s3] =	ssyncset.done $0x0  }
0xa7: {  	[sflag:s3] =	ssyncadd.s32 $0xFFFFF980  }
0xa8: {  	[tilespmem:s6], [sflag:$0x1] =	stream.indirect.gather [hbm4b:s5+s6], $0x1, s2, s6, $0xb8;
	[tilespmem:$0xD00] =	vst v63  }
0xa9: {  	_ =	swait.ge [sflag:s7], $0x680  }
0xaa: {  	[sflag:s7] =	ssyncset.done $0x0  }
0xab: {  	[sflag:s7] =	ssyncadd.s32 $0xFFFFF980  }
0xac: {  	[hbm4b:s18+s2] =	stream.linear.scatter [tilespmem:s6], [sflag:$0x2], $0x680, $0x38;
	[tilespmem:$0xD00] =	vst v63  }
0xad: {  	_ =	swait.ge [sflag:s3], $0x680  }
0xae: {  	[sflag:s3] =	ssyncset.done $0x0  }
0xaf: {  	[sflag:s3] =	ssyncadd.s32 $0xFFFFF980  }
0xb0: {  	[tilespmem:s2], [sflag:$0x2] =	stream.linear.gather [hbm4b:s19+s2], $0x680, $0x38;
	[tilespmem:$0xD00] =	vst v63  }
0xb1: {  	_ =	swait.ge [sflag:s3], $0x680  }
0xb2: {  	[sflag:s3] =	ssyncset.done $0x0  }
0xb3: {  	[sflag:s3] =	ssyncadd.s32 $0xFFFFF980  }
0xb4: {  	[tilespmem:s6], [sflag:$0x1] =	stream.indirect.gather [hbm4b:s5+s6], $0x1, s2, s6, $0xb8;
	[tilespmem:$0xD00] =	vst v63  }
0xb5: {  	_ =	swait.ge [sflag:s7], $0x680  }
0xb6: {  	[sflag:s7] =	ssyncset.done $0x0  }
0xb7: {  	[sflag:s7] =	ssyncadd.s32 $0xFFFFF980  }
0xb8: {  	[hbm4b:s20+s2] =	stream.linear.scatter [tilespmem:s6], [sflag:$0x2], $0x680, $0x38;
	[tilespmem:$0xD00] =	vst v63  }
0xb9: {  	_ =	swait.ge [sflag:s3], $0x680  }
0xba: {  	[sflag:s3] =	ssyncset.done $0x0  }
0xbb: {  	[sflag:s3] =	ssyncadd.s32 $0xFFFFF980  }
0xbc: {  	[tilespmem:s2], [sflag:$0x2] =	stream.linear.gather [hbm4b:s21+s2], $0x680, $0x38;
	[tilespmem:$0xD00] =	vst v63  }
0xbd: {  	_ =	swait.ge [sflag:s3], $0x680  }
0xbe: {  	[sflag:s3] =	ssyncset.done $0x0  }
0xbf: {  	[sflag:s3] =	ssyncadd.s32 $0xFFFFF980  }
0xc0: {  	[tilespmem:s6], [sflag:$0x1] =	stream.indirect.gather [hbm4b:s5+s6], $0x1, s2, s6, $0xb8;
	[tilespmem:$0xD00] =	vst v63  }
0xc1: {  	_ =	swait.ge [sflag:s7], $0x680  }
.Ltmp1:
0xc2: {  	[sflag:s7] =	ssyncset.done $0x0;
	(pc) =	sbr.rel @p0 .LBB2_1-.Ltmp1, $4  }
0xc3: {  	[sflag:s7] =	ssyncadd.s32 $0xFFFFF980  }
0xc4: {  	[hbm4b:s22+s2] =	stream.linear.scatter [tilespmem:s6], [sflag:$0x2], $0x680, $0x38;
	[tilespmem:$0xD00] =	vst v63  }
0xc5: {  	_ =	swait.ge [sflag:s3], $0x680  }
0xc6: {  	[sflag:s3] =	ssyncset.done $0x0  }
.LBB2_2:
0xc7: {  	[sflag:s3] =	ssyncadd.s32 $0xFFFFF980  }
0xc8: {  	_ =	sfence.sel $0x180000  }
0xc9: {  	[bflag:$0x0] =	sbarrier.arrive $0xFFFF  }
0xca: {  	p0 =	sne.s32 s0, $0x0;
	_ =	strace $0x9000004A  }
0xcb: {  	s0 =	sadd.s32 @!p0 $0x100000, s1;
	[bflag:$0x2] =	sbarrier.arrive $0xFFFF  }
0xcc: {  	[sflag:s0] =	ssyncadd.tile.s32 @!p0 $0x1;
	_ =	shalt  }
.Lfunc_end2:
_tile_overlayer_lowered:
.L_overlay_start_2:
0xcd: {  	(tag) =	ssettag $0x2  }
0xce: {  	s0 =	rddreg [dreg:$0x0];
	s2 =	stileid.u32  }
0xcf: {  	s1 =	rddreg [dreg:$0x1];
	p0 =	sne.s32 s2, $0x0  }
0xd0: {  	s3 =	rddreg [dreg:$0x2];
	[bflag:$0x3] =	sbarrier.arrive $0xFFFF;
	s2 =	simm.s32 @!p0 $0x1C02  }
0xd1: {  	[timem:s3], [sflag:s2] =	dma.local @!p0 [hbm:s0], s1  }
0xd2: {  	s0 =	simm.s32 @!p0 $0x2  }
0xd3: {  	_ =	swait.ge @!p0 [sflag:s0], s1  }
0xd4: {  	s1 =	ssub.s32 @!p0 $0x0, s1;
	[sflag:s0] =	ssyncset.done @!p0 $0x0  }
0xd5: {  	[sflag:s0] =	ssyncadd.s32 @!p0 s1  }
0xd6: {  	[bflag:$0x3] =	sbarrier.arrive $0xFFFF  }
0xd7: {  	_ =	shalt  }

</sc_bundles>
